<compile_context>
chip_gen: v7x
topology: tpu7x:2x2x1
jax: 0.10.2.dev20260603
libtpu: 0.0.44.dev20260713+nightly
codegen_flags: <defaults>
</compile_context>

<pallas_src>
import functools

import jax
import jax.numpy as jnp
from jax import lax
from jax.experimental import pallas as pl
from jax.experimental.pallas import tpu as pltpu
from jax.experimental.pallas import tpu_sc as plsc

NC = 1
NS = 16
L = 16
NW = NC * NS
EMB = 128
CHUNK = 128
NBUF = 2
UNROLL = 4
SC_ROWS = 2048
BLOCK = 2048


def _transe_sc(inputs, R, rows):
    b_per_w = rows // NW
    n_chunks = b_per_w // CHUNK
    mesh = plsc.VectorSubcoreMesh(
        core_axis_name="c", subcore_axis_name="s", num_cores=NC, num_subcores=NS
    )

    @functools.partial(
        pl.kernel,
        out_type=jax.ShapeDtypeStruct((rows, EMB), jnp.float32),
        mesh=mesh,
        compiler_params=pltpu.CompilerParams(use_tc_tiling_on_sc=True),
        scratch_types=[
            pltpu.VMEM((NBUF, CHUNK, 2, EMB), jnp.float32),
            pltpu.VMEM((NBUF, CHUNK, EMB), jnp.float32),
            pltpu.VMEM((EMB,), jnp.float32),
            pltpu.SemaphoreType.DMA((NBUF,)),
            pltpu.SemaphoreType.DMA((NBUF,)),
        ],
    )
    def k(in_hbm, r_hbm, out_hbm, in_v, out_v, r_v, in_sems, out_sems):
        wid = lax.axis_index("s") * NC + lax.axis_index("c")
        base = wid * b_per_w
        pltpu.sync_copy(r_hbm, r_v)
        r_regs = [r_v[pl.ds(j * L, L)] for j in range(EMB // L)]

        def in_copy(c):
            return pltpu.make_async_copy(
                in_hbm.at[pl.ds(base + c * CHUNK, CHUNK)],
                in_v.at[c % NBUF],
                in_sems.at[c % NBUF],
            )

        def out_copy(c):
            return pltpu.make_async_copy(
                out_v.at[c % NBUF],
                out_hbm.at[pl.ds(base + c * CHUNK, CHUNK)],
                out_sems.at[c % NBUF],
            )

        for c in range(min(NBUF, n_chunks)):
            in_copy(c).start()

        for c in range(n_chunks):
            s = c % NBUF
            in_copy(c).wait()
            if c >= NBUF:
                out_copy(c - NBUF).wait()

            @plsc.parallel_loop(0, CHUNK, step=1, unroll=UNROLL)
            def _rows(r):
                for j in range(EMB // L):
                    h = in_v[s, r, 0, pl.ds(j * L, L)]
                    t = in_v[s, r, 1, pl.ds(j * L, L)]
                    out_v[s, r, pl.ds(j * L, L)] = r_regs[j] + h - t

            out_copy(c).start()
            if c + NBUF < n_chunks:
                in_copy(c + NBUF).start()

        for c in range(max(0, n_chunks - NBUF), n_chunks):
            out_copy(c).wait()

    return k(inputs, R)


def _transe_tc(inputs, R, skip_rows):
    B = inputs.shape[0]
    assert skip_rows % BLOCK == 0 and (B - skip_rows) % BLOCK == 0
    first = skip_rows // BLOCK

    def body(in_ref, r_ref, out_ref):
        out_ref[...] = r_ref[...] + in_ref[:, 0, :] - in_ref[:, 1, :]

    return pl.pallas_call(
        body,
        grid=((B - skip_rows) // BLOCK,),
        in_specs=[
            pl.BlockSpec((BLOCK, 2, EMB), lambda i: (first + i, 0, 0)),
            pl.BlockSpec((1, EMB), lambda i: (0, 0)),
        ],
        out_specs=pl.BlockSpec((BLOCK, EMB), lambda i: (first + i, 0)),
        out_shape=jax.ShapeDtypeStruct((B, EMB), jnp.float32),
    )(inputs, R.reshape(1, EMB))


def kernel(inputs, R):
    tc_full = _transe_tc(inputs, R, SC_ROWS)
    sc_out = _transe_sc(inputs, R, SC_ROWS)
    return lax.dynamic_update_slice(tc_full, sc_out, (0, 0))

# --- scband reference (transcript-rebuilt; emitter-appended) ---
"""Pipeline reference for scband-trans-e-47682726920282 (READ-ONLY COPY).

The authoritative reference and input builder live on the scoring server;
editing this copy changes nothing except your own understanding.
"""

import jax, jax.numpy as jnp
import numpy as np

BATCH = 16384
EMB = 128

def setup_inputs(seed: int = 0) -> dict:
    key = jax.random.key(seed)
    k1, k2 = jax.random.split(key)
    inputs = jax.random.normal(k1, (BATCH, 2, EMB), dtype=jnp.float32)
    # Glorot uniform for a 1-D variable of shape [EMB]: limit = sqrt(6/(fan_in+fan_out)) with fan_in=fan_out=EMB per TF convention for 1-D -> fan_in=fan_out=EMB? TF treats 1-D shape as fan_in=fan_out=shape[0].
    limit = float(np.sqrt(6.0 / (EMB + EMB)))
    R = jax.random.uniform(k2, (EMB,), dtype=jnp.float32, minval=-limit, maxval=limit)
    return {"inputs": inputs, "R": R}

def reference(inputs, R):
    # dropout_rate=0.0 -> dropout is identity (inference behavior)
    head = inputs[:, 0, :]
    tail = inputs[:, 1, :]
    embeddings = R + head - tail
    return embeddings

if __name__ == "__main__":
    import jax
    _d = setup_inputs()
    print(jax.jit(kernel)(*tuple(_d.values())))

</pallas_src>

<mosaic_0001>
#map = affine_map<(d0, d1) -> (0, 0, 0)>
#map1 = affine_map<(d0, d1) -> (0)>
#map2 = affine_map<(d0, d1) -> (0, 0)>
module attributes {stable_mosaic.version = 14 : i64} {
  func.func @k(%arg0: i32, %arg1: i32, %arg2: memref<16384x2x128xf32, #tpu.memory_space<hbm>>, %arg3: memref<128xf32, #tpu.memory_space<hbm>>, %arg4: memref<2048x128xf32, #tpu.memory_space<hbm>>, %arg5: memref<2x128x2x128xf32, #tpu.memory_space<vmem>>, %arg6: memref<2x128x128xf32, #tpu.memory_space<vmem>>, %arg7: memref<128xf32, #tpu.memory_space<vmem>>, %arg8: memref<2x!tpu.dma_semaphore, #tpu.memory_space<semaphore_mem>>, %arg9: memref<2x!tpu.dma_semaphore, #tpu.memory_space<semaphore_mem>>) attributes {dimension_semantics = [#tpu.dimension_semantics<core_parallel>, #tpu.dimension_semantics<subcore_parallel>], iteration_bounds = array<i64: 1, 16>, scalar_prefetch = 0 : i64, scratch_operands = 5 : i64, tpu.core_type = #tpu.core_type<sc_vector_subcore>, window_params = [{transform_indices = #map}, {transform_indices = #map1}, {transform_indices = #map2}]} {
    %mul3A = arith.constant 1 : i32
    %mul3A_0 = arith.muli %arg1, %mul3A : i32
    %add3A = arith.addi %mul3A_0, %arg0 : i32
    %mul3A_1 = arith.constant 128 : i32
    %mul3A_2 = arith.muli %add3A, %mul3A_1 : i32
    "tpu.region"() ({
      %run_scoped3A = tpu.sem_alloc : memref<!tpu.dma_semaphore, #tpu.memory_space<semaphore_mem>>
      tpu.enqueue_dma source(%arg3 : memref<128xf32, #tpu.memory_space<hbm>>) target(%arg7 : memref<128xf32, #tpu.memory_space<vmem>>) target_semaphore(%run_scoped3A : memref<!tpu.dma_semaphore, #tpu.memory_space<semaphore_mem>>)
      tpu.wait_dma2 semaphore(%run_scoped3A : memref<!tpu.dma_semaphore, #tpu.memory_space<semaphore_mem>>) src(%arg3 : memref<128xf32, #tpu.memory_space<hbm>>) dst(%arg7 : memref<128xf32, #tpu.memory_space<vmem>>)
      tpu.yield
    }) : () -> ()
    %get3A = arith.constant 0 : index
    %get3A_3 = tpu.vector_load %arg7[%get3A] {strides = array<i32>} : memref<128xf32, #tpu.memory_space<vmem>>, vector<16xf32>,
    %get3A_4 = vector.shape_cast %get3A_3 : vector<16xf32> to vector<16xf32>
    %get3A_5 = arith.constant 16 : index
    %get3A_6 = tpu.vector_load %arg7[%get3A_5] {strides = array<i32>} : memref<128xf32, #tpu.memory_space<vmem>>, vector<16xf32>,
    %get3A_7 = vector.shape_cast %get3A_6 : vector<16xf32> to vector<16xf32>
    %get3A_8 = arith.constant 32 : index
    %get3A_9 = tpu.vector_load %arg7[%get3A_8] {strides = array<i32>} : memref<128xf32, #tpu.memory_space<vmem>>, vector<16xf32>,
    %get3A_10 = vector.shape_cast %get3A_9 : vector<16xf32> to vector<16xf32>
    %get3A_11 = arith.constant 48 : index
    %get3A_12 = tpu.vector_load %arg7[%get3A_11] {strides = array<i32>} : memref<128xf32, #tpu.memory_space<vmem>>, vector<16xf32>,
    %get3A_13 = vector.shape_cast %get3A_12 : vector<16xf32> to vector<16xf32>
    %get3A_14 = arith.constant 64 : index
    %get3A_15 = tpu.vector_load %arg7[%get3A_14] {strides = array<i32>} : memref<128xf32, #tpu.memory_space<vmem>>, vector<16xf32>,
    %get3A_16 = vector.shape_cast %get3A_15 : vector<16xf32> to vector<16xf32>
    %get3A_17 = arith.constant 80 : index
    %get3A_18 = tpu.vector_load %arg7[%get3A_17] {strides = array<i32>} : memref<128xf32, #tpu.memory_space<vmem>>, vector<16xf32>,
    %get3A_19 = vector.shape_cast %get3A_18 : vector<16xf32> to vector<16xf32>
    %get3A_20 = arith.constant 96 : index
    %get3A_21 = tpu.vector_load %arg7[%get3A_20] {strides = array<i32>} : memref<128xf32, #tpu.memory_space<vmem>>, vector<16xf32>,
    %get3A_22 = vector.shape_cast %get3A_21 : vector<16xf32> to vector<16xf32>
    %get3A_23 = arith.constant 112 : index
    %get3A_24 = tpu.vector_load %arg7[%get3A_23] {strides = array<i32>} : memref<128xf32, #tpu.memory_space<vmem>>, vector<16xf32>,
    %get3A_25 = vector.shape_cast %get3A_24 : vector<16xf32> to vector<16xf32>
    %add3A_26 = arith.constant 0 : i32
    %add3A_27 = arith.addi %mul3A_2, %add3A_26 : i32
    %dma_start3A = arith.constant 0 : i32
    %dma_start3A_28 = arith.constant 0 : i32
    %dma_start3A_29 = arith.constant 0 : i32
    %dma_start3A_30 = arith.constant 0 : i32
    %dma_start3A_31 = arith.constant 0 : i32
    %dma_start3A_32 = tpu.memref_slice %arg5[%dma_start3A, %dma_start3A_29, %dma_start3A_30, %dma_start3A_31] : memref<2x128x2x128xf32, #tpu.memory_space<vmem>> -> memref<1x128x2x128xf32, #tpu.memory_space<vmem>>
    %dma_start3A_33 = tpu.memref_squeeze %dma_start3A_32 : memref<1x128x2x128xf32, #tpu.memory_space<vmem>> -> memref<128x2x128xf32, #tpu.memory_space<vmem>>
    %dma_start3A_34 = arith.constant 0 : i32
    %dma_start3A_35 = arith.constant 0 : i32
    %dma_start3A_36 = tpu.memref_slice %arg2[%add3A_27, %dma_start3A_34, %dma_start3A_35] : memref<16384x2x128xf32, #tpu.memory_space<hbm>> -> memref<128x2x128xf32, #tpu.memory_space<hbm>>
    %dma_start3A_37 = tpu.memref_slice %arg8[%dma_start3A_28] : memref<2x!tpu.dma_semaphore, #tpu.memory_space<semaphore_mem>> -> memref<1x!tpu.dma_semaphore, #tpu.memory_space<semaphore_mem>>
    %dma_start3A_38 = tpu.memref_squeeze %dma_start3A_37 : memref<1x!tpu.dma_semaphore, #tpu.memory_space<semaphore_mem>> -> memref<!tpu.dma_semaphore, #tpu.memory_space<semaphore_mem>>
    %dma_start3A_39 = arith.constant 0 : i32
    %dma_start3A_40 = arith.constant 0 : i32
    %dma_start3A_41 = arith.constant 0 : i32
    %dma_start3A_42 = tpu.memref_slice %arg5[%dma_start3A, %dma_start3A_39, %dma_start3A_40, %dma_start3A_41] : memref<2x128x2x128xf32, #tpu.memory_space<vmem>> -> memref<1x128x2x128xf32, #tpu.memory_space<vmem>>
    %dma_start3A_43 = tpu.memref_squeeze %dma_start3A_42 : memref<1x128x2x128xf32, #tpu.memory_space<vmem>> -> memref<128x2x128xf32, #tpu.memory_space<vmem>>
    %dma_start3A_44 = arith.constant 0 : i32
    %dma_start3A_45 = arith.constant 0 : i32
    %dma_start3A_46 = tpu.memref_slice %arg2[%add3A_27, %dma_start3A_44, %dma_start3A_45] : memref<16384x2x128xf32, #tpu.memory_space<hbm>> -> memref<128x2x128xf32, #tpu.memory_space<hbm>>
    tpu.enqueue_dma source(%dma_start3A_46 : memref<128x2x128xf32, #tpu.memory_space<hbm>>) target(%dma_start3A_43 : memref<128x2x128xf32, #tpu.memory_space<vmem>>) target_semaphore(%dma_start3A_38 : memref<!tpu.dma_semaphore, #tpu.memory_space<semaphore_mem>>)
    %add3A_47 = arith.constant 0 : i32
    %add3A_48 = arith.addi %mul3A_2, %add3A_47 : i32
    %dma_wait3A = arith.constant 0 : i32
    %dma_wait3A_49 = arith.constant 0 : i32
    %dma_wait3A_50 = arith.constant 0 : i32
    %dma_wait3A_51 = arith.constant 0 : i32
    %dma_wait3A_52 = arith.constant 0 : i32
    %dma_wait3A_53 = tpu.memref_slice %arg5[%dma_wait3A, %dma_wait3A_50, %dma_wait3A_51, %dma_wait3A_52] : memref<2x128x2x128xf32, #tpu.memory_space<vmem>> -> memref<1x128x2x128xf32, #tpu.memory_space<vmem>>
    %dma_wait3A_54 = tpu.memref_squeeze %dma_wait3A_53 : memref<1x128x2x128xf32, #tpu.memory_space<vmem>> -> memref<128x2x128xf32, #tpu.memory_space<vmem>>
    %dma_wait3A_55 = arith.constant 0 : i32
    %dma_wait3A_56 = arith.constant 0 : i32
    %dma_wait3A_57 = tpu.memref_slice %arg2[%add3A_48, %dma_wait3A_55, %dma_wait3A_56] : memref<16384x2x128xf32, #tpu.memory_space<hbm>> -> memref<128x2x128xf32, #tpu.memory_space<hbm>>
    %dma_wait3A_58 = tpu.memref_slice %arg8[%dma_wait3A_49] : memref<2x!tpu.dma_semaphore, #tpu.memory_space<semaphore_mem>> -> memref<1x!tpu.dma_semaphore, #tpu.memory_space<semaphore_mem>>
    %dma_wait3A_59 = tpu.memref_squeeze %dma_wait3A_58 : memref<1x!tpu.dma_semaphore, #tpu.memory_space<semaphore_mem>> -> memref<!tpu.dma_semaphore, #tpu.memory_space<semaphore_mem>>
    %dma_wait3A_60 = arith.constant 0 : i32
    %dma_wait3A_61 = arith.constant 0 : i32
    %dma_wait3A_62 = arith.constant 0 : i32
    %dma_wait3A_63 = tpu.memref_slice %arg5[%dma_wait3A, %dma_wait3A_60, %dma_wait3A_61, %dma_wait3A_62] : memref<2x128x2x128xf32, #tpu.memory_space<vmem>> -> memref<1x128x2x128xf32, #tpu.memory_space<vmem>>
    %dma_wait3A_64 = tpu.memref_squeeze %dma_wait3A_63 : memref<1x128x2x128xf32, #tpu.memory_space<vmem>> -> memref<128x2x128xf32, #tpu.memory_space<vmem>>
    %dma_wait3A_65 = arith.constant 0 : i32
    %dma_wait3A_66 = arith.constant 0 : i32
    %dma_wait3A_67 = tpu.memref_slice %arg2[%add3A_48, %dma_wait3A_65, %dma_wait3A_66] : memref<16384x2x128xf32, #tpu.memory_space<hbm>> -> memref<128x2x128xf32, #tpu.memory_space<hbm>>
    tpu.wait_dma2 semaphore(%dma_wait3A_59 : memref<!tpu.dma_semaphore, #tpu.memory_space<semaphore_mem>>) src(%dma_wait3A_67 : memref<128x2x128xf32, #tpu.memory_space<hbm>>) dst(%dma_wait3A_64 : memref<128x2x128xf32, #tpu.memory_space<vmem>>)
    %parallel_loop3A = arith.constant 0 : i32
    %parallel_loop3A_68 = arith.constant 128 : i32
    %parallel_loop3A_69 = arith.constant 1 : i32
    scf.for %parallel_loop3A_106 = %parallel_loop3A to %parallel_loop3A_68 step %parallel_loop3A_69  : i32 {
      %parallel_loop3A_107 = arith.constant 0 : i32
      %parallel_loop3A_108 = arith.constant 0 : i32
      %parallel_loop3A_109 = arith.index_cast %parallel_loop3A_107 : i32 to index
      %parallel_loop3A_110 = arith.index_cast %parallel_loop3A_106 : i32 to index
      %parallel_loop3A_111 = arith.index_cast %parallel_loop3A_108 : i32 to index
      %parallel_loop3A_112 = arith.constant 0 : index
      %parallel_loop3A_113 = tpu.vector_load %arg5[%parallel_loop3A_109, %parallel_loop3A_110, %parallel_loop3A_111, %parallel_loop3A_112] {strides = array<i32>} : memref<2x128x2x128xf32, #tpu.memory_space<vmem>>, vector<1x1x1x16xf32>,
      %parallel_loop3A_114 = vector.shape_cast %parallel_loop3A_113 : vector<1x1x1x16xf32> to vector<16xf32>
      %parallel_loop3A_115 = arith.constant 0 : i32
      %parallel_loop3A_116 = arith.constant 1 : i32
      %parallel_loop3A_117 = arith.index_cast %parallel_loop3A_115 : i32 to index
      %parallel_loop3A_118 = arith.index_cast %parallel_loop3A_106 : i32 to index
      %parallel_loop3A_119 = arith.index_cast %parallel_loop3A_116 : i32 to index
      %parallel_loop3A_120 = arith.constant 0 : index
      %parallel_loop3A_121 = tpu.vector_load %arg5[%parallel_loop3A_117, %parallel_loop3A_118, %parallel_loop3A_119, %parallel_loop3A_120] {strides = array<i32>} : memref<2x128x2x128xf32, #tpu.memory_space<vmem>>, vector<1x1x1x16xf32>,
      %parallel_loop3A_122 = vector.shape_cast %parallel_loop3A_121 : vector<1x1x1x16xf32> to vector<16xf32>
      %parallel_loop3A_123 = arith.addf %get3A_4, %parallel_loop3A_114 : vector<16xf32>
      %parallel_loop3A_124 = arith.subf %parallel_loop3A_123, %parallel_loop3A_122 : vector<16xf32>
      %parallel_loop3A_125 = arith.constant 0 : i32
      %parallel_loop3A_126 = arith.index_cast %parallel_loop3A_125 : i32 to index
      %parallel_loop3A_127 = arith.index_cast %parallel_loop3A_106 : i32 to index
      %parallel_loop3A_128 = arith.constant 0 : index
      %parallel_loop3A_129 = tpu.vector_load %arg6[%parallel_loop3A_126, %parallel_loop3A_127, %parallel_loop3A_128] {strides = array<i32>} : memref<2x128x128xf32, #tpu.memory_space<vmem>>, vector<1x1x16xf32>,
      %parallel_loop3A_130 = vector.shape_cast %parallel_loop3A_129 : vector<1x1x16xf32> to vector<16xf32>
      %parallel_loop3A_131 = vector.shape_cast %parallel_loop3A_124 : vector<16xf32> to vector<1x1x16xf32>
      tpu.vector_store %arg6[%parallel_loop3A_126, %parallel_loop3A_127, %parallel_loop3A_128], %parallel_loop3A_131 {strides = array<i32>} : memref<2x128x128xf32, #tpu.memory_space<vmem>>, vector<1x1x16xf32>,
      %parallel_loop3A_132 = arith.constant 0 : i32
      %parallel_loop3A_133 = arith.constant 0 : i32
      %parallel_loop3A_134 = arith.index_cast %parallel_loop3A_132 : i32 to index
      %parallel_loop3A_135 = arith.index_cast %parallel_loop3A_106 : i32 to index
      %parallel_loop3A_136 = arith.index_cast %parallel_loop3A_133 : i32 to index
      %parallel_loop3A_137 = arith.constant 16 : index
      %parallel_loop3A_138 = tpu.vector_load %arg5[%parallel_loop3A_134, %parallel_loop3A_135, %parallel_loop3A_136, %parallel_loop3A_137] {strides = array<i32>} : memref<2x128x2x128xf32, #tpu.memory_space<vmem>>, vector<1x1x1x16xf32>,
      %parallel_loop3A_139 = vector.shape_cast %parallel_loop3A_138 : vector<1x1x1x16xf32> to vector<16xf32>
      %parallel_loop3A_140 = arith.constant 0 : i32
      %parallel_loop3A_141 = arith.constant 1 : i32
      %parallel_loop3A_142 = arith.index_cast %parallel_loop3A_140 : i32 to index
      %parallel_loop3A_143 = arith.index_cast %parallel_loop3A_106 : i32 to index
      %parallel_loop3A_144 = arith.index_cast %parallel_loop3A_141 : i32 to index
      %parallel_loop3A_145 = arith.constant 16 : index
      %parallel_loop3A_146 = tpu.vector_load %arg5[%parallel_loop3A_142, %parallel_loop3A_143, %parallel_loop3A_144, %parallel_loop3A_145] {strides = array<i32>} : memref<2x128x2x128xf32, #tpu.memory_space<vmem>>, vector<1x1x1x16xf32>,
      %parallel_loop3A_147 = vector.shape_cast %parallel_loop3A_146 : vector<1x1x1x16xf32> to vector<16xf32>
      %parallel_loop3A_148 = arith.addf %get3A_7, %parallel_loop3A_139 : vector<16xf32>
      %parallel_loop3A_149 = arith.subf %parallel_loop3A_148, %parallel_loop3A_147 : vector<16xf32>
      %parallel_loop3A_150 = arith.constant 0 : i32
      %parallel_loop3A_151 = arith.index_cast %parallel_loop3A_150 : i32 to index
      %parallel_loop3A_152 = arith.index_cast %parallel_loop3A_106 : i32 to index
      %parallel_loop3A_153 = arith.constant 16 : index
      %parallel_loop3A_154 = tpu.vector_load %arg6[%parallel_loop3A_151, %parallel_loop3A_152, %parallel_loop3A_153] {strides = array<i32>} : memref<2x128x128xf32, #tpu.memory_space<vmem>>, vector<1x1x16xf32>,
      %parallel_loop3A_155 = vector.shape_cast %parallel_loop3A_154 : vector<1x1x16xf32> to vector<16xf32>
      %parallel_loop3A_156 = vector.shape_cast %parallel_loop3A_149 : vector<16xf32> to vector<1x1x16xf32>
      tpu.vector_store %arg6[%parallel_loop3A_151, %parallel_loop3A_152, %parallel_loop3A_153], %parallel_loop3A_156 {strides = array<i32>} : memref<2x128x128xf32, #tpu.memory_space<vmem>>, vector<1x1x16xf32>,
      %parallel_loop3A_157 = arith.constant 0 : i32
      %parallel_loop3A_158 = arith.constant 0 : i32
      %parallel_loop3A_159 = arith.index_cast %parallel_loop3A_157 : i32 to index
      %parallel_loop3A_160 = arith.index_cast %parallel_loop3A_106 : i32 to index
      %parallel_loop3A_161 = arith.index_cast %parallel_loop3A_158 : i32 to index
      %parallel_loop3A_162 = arith.constant 32 : index
      %parallel_loop3A_163 = tpu.vector_load %arg5[%parallel_loop3A_159, %parallel_loop3A_160, %parallel_loop3A_161, %parallel_loop3A_162] {strides = array<i32>} : memref<2x128x2x128xf32, #tpu.memory_space<vmem>>, vector<1x1x1x16xf32>,
      %parallel_loop3A_164 = vector.shape_cast %parallel_loop3A_163 : vector<1x1x1x16xf32> to vector<16xf32>
      %parallel_loop3A_165 = arith.constant 0 : i32
      %parallel_loop3A_166 = arith.constant 1 : i32
      %parallel_loop3A_167 = arith.index_cast %parallel_loop3A_165 : i32 to index
      %parallel_loop3A_168 = arith.index_cast %parallel_loop3A_106 : i32 to index
      %parallel_loop3A_169 = arith.index_cast %parallel_loop3A_166 : i32 to index
      %parallel_loop3A_170 = arith.constant 32 : index
      %parallel_loop3A_171 = tpu.vector_load %arg5[%parallel_loop3A_167, %parallel_loop3A_168, %parallel_loop3A_169, %parallel_loop3A_170] {strides = array<i32>} : memref<2x128x2x128xf32, #tpu.memory_space<vmem>>, vector<1x1x1x16xf32>,
      %parallel_loop3A_172 = vector.shape_cast %parallel_loop3A_171 : vector<1x1x1x16xf32> to vector<16xf32>
      %parallel_loop3A_173 = arith.addf %get3A_10, %parallel_loop3A_164 : vector<16xf32>
      %parallel_loop3A_174 = arith.subf %parallel_loop3A_173, %parallel_loop3A_172 : vector<16xf32>
      %parallel_loop3A_175 = arith.constant 0 : i32
      %parallel_loop3A_176 = arith.index_cast %parallel_loop3A_175 : i32 to index
      %parallel_loop3A_177 = arith.index_cast %parallel_loop3A_106 : i32 to index
      %parallel_loop3A_178 = arith.constant 32 : index
      %parallel_loop3A_179 = tpu.vector_load %arg6[%parallel_loop3A_176, %parallel_loop3A_177, %parallel_loop3A_178] {strides = array<i32>} : memref<2x128x128xf32, #tpu.memory_space<vmem>>, vector<1x1x16xf32>,
      %parallel_loop3A_180 = vector.shape_cast %parallel_loop3A_179 : vector<1x1x16xf32> to vector<16xf32>
      %parallel_loop3A_181 = vector.shape_cast %parallel_loop3A_174 : vector<16xf32> to vector<1x1x16xf32>
      tpu.vector_store %arg6[%parallel_loop3A_176, %parallel_loop3A_177, %parallel_loop3A_178], %parallel_loop3A_181 {strides = array<i32>} : memref<2x128x128xf32, #tpu.memory_space<vmem>>, vector<1x1x16xf32>,
      %parallel_loop3A_182 = arith.constant 0 : i32
      %parallel_loop3A_183 = arith.constant 0 : i32
      %parallel_loop3A_184 = arith.index_cast %parallel_loop3A_182 : i32 to index
      %parallel_loop3A_185 = arith.index_cast %parallel_loop3A_106 : i32 to index
      %parallel_loop3A_186 = arith.index_cast %parallel_loop3A_183 : i32 to index
      %parallel_loop3A_187 = arith.constant 48 : index
      %parallel_loop3A_188 = tpu.vector_load %arg5[%parallel_loop3A_184, %parallel_loop3A_185, %parallel_loop3A_186, %parallel_loop3A_187] {strides = array<i32>} : memref<2x128x2x128xf32, #tpu.memory_space<vmem>>, vector<1x1x1x16xf32>,
      %parallel_loop3A_189 = vector.shape_cast %parallel_loop3A_188 : vector<1x1x1x16xf32> to vector<16xf32>
      %parallel_loop3A_190 = arith.constant 0 : i32
      %parallel_loop3A_191 = arith.constant 1 : i32
      %parallel_loop3A_192 = arith.index_cast %parallel_loop3A_190 : i32 to index
      %parallel_loop3A_193 = arith.index_cast %parallel_loop3A_106 : i32 to index
      %parallel_loop3A_194 = arith.index_cast %parallel_loop3A_191 : i32 to index
      %parallel_loop3A_195 = arith.constant 48 : index
      %parallel_loop3A_196 = tpu.vector_load %arg5[%parallel_loop3A_192, %parallel_loop3A_193, %parallel_loop3A_194, %parallel_loop3A_195] {strides = array<i32>} : memref<2x128x2x128xf32, #tpu.memory_space<vmem>>, vector<1x1x1x16xf32>,
      %parallel_loop3A_197 = vector.shape_cast %parallel_loop3A_196 : vector<1x1x1x16xf32> to vector<16xf32>
      %parallel_loop3A_198 = arith.addf %get3A_13, %parallel_loop3A_189 : vector<16xf32>
      %parallel_loop3A_199 = arith.subf %parallel_loop3A_198, %parallel_loop3A_197 : vector<16xf32>
      %parallel_loop3A_200 = arith.constant 0 : i32
      %parallel_loop3A_201 = arith.index_cast %parallel_loop3A_200 : i32 to index
      %parallel_loop3A_202 = arith.index_cast %parallel_loop3A_106 : i32 to index
      %parallel_loop3A_203 = arith.constant 48 : index
      %parallel_loop3A_204 = tpu.vector_load %arg6[%parallel_loop3A_201, %parallel_loop3A_202, %parallel_loop3A_203] {strides = array<i32>} : memref<2x128x128xf32, #tpu.memory_space<vmem>>, vector<1x1x16xf32>,
      %parallel_loop3A_205 = vector.shape_cast %parallel_loop3A_204 : vector<1x1x16xf32> to vector<16xf32>
      %parallel_loop3A_206 = vector.shape_cast %parallel_loop3A_199 : vector<16xf32> to vector<1x1x16xf32>
      tpu.vector_store %arg6[%parallel_loop3A_201, %parallel_loop3A_202, %parallel_loop3A_203], %parallel_loop3A_206 {strides = array<i32>} : memref<2x128x128xf32, #tpu.memory_space<vmem>>, vector<1x1x16xf32>,
      %parallel_loop3A_207 = arith.constant 0 : i32
      %parallel_loop3A_208 = arith.constant 0 : i32
      %parallel_loop3A_209 = arith.index_cast %parallel_loop3A_207 : i32 to index
      %parallel_loop3A_210 = arith.index_cast %parallel_loop3A_106 : i32 to index
      %parallel_loop3A_211 = arith.index_cast %parallel_loop3A_208 : i32 to index
      %parallel_loop3A_212 = arith.constant 64 : index
      %parallel_loop3A_213 = tpu.vector_load %arg5[%parallel_loop3A_209, %parallel_loop3A_210, %parallel_loop3A_211, %parallel_loop3A_212] {strides = array<i32>} : memref<2x128x2x128xf32, #tpu.memory_space<vmem>>, vector<1x1x1x16xf32>,
      %parallel_loop3A_214 = vector.shape_cast %parallel_loop3A_213 : vector<1x1x1x16xf32> to vector<16xf32>
      %parallel_loop3A_215 = arith.constant 0 : i32
      %parallel_loop3A_216 = arith.constant 1 : i32
      %parallel_loop3A_217 = arith.index_cast %parallel_loop3A_215 : i32 to index
      %parallel_loop3A_218 = arith.index_cast %parallel_loop3A_106 : i32 to index
      %parallel_loop3A_219 = arith.index_cast %parallel_loop3A_216 : i32 to index
      %parallel_loop3A_220 = arith.constant 64 : index
      %parallel_loop3A_221 = tpu.vector_load %arg5[%parallel_loop3A_217, %parallel_loop3A_218, %parallel_loop3A_219, %parallel_loop3A_220] {strides = array<i32>} : memref<2x128x2x128xf32, #tpu.memory_space<vmem>>, vector<1x1x1x16xf32>,
      %parallel_loop3A_222 = vector.shape_cast %parallel_loop3A_221 : vector<1x1x1x16xf32> to vector<16xf32>
      %parallel_loop3A_223 = arith.addf %get3A_16, %parallel_loop3A_214 : vector<16xf32>
      %parallel_loop3A_224 = arith.subf %parallel_loop3A_223, %parallel_loop3A_222 : vector<16xf32>
      %parallel_loop3A_225 = arith.constant 0 : i32
      %parallel_loop3A_226 = arith.index_cast %parallel_loop3A_225 : i32 to index
      %parallel_loop3A_227 = arith.index_cast %parallel_loop3A_106 : i32 to index
      %parallel_loop3A_228 = arith.constant 64 : index
      %parallel_loop3A_229 = tpu.vector_load %arg6[%parallel_loop3A_226, %parallel_loop3A_227, %parallel_loop3A_228] {strides = array<i32>} : memref<2x128x128xf32, #tpu.memory_space<vmem>>, vector<1x1x16xf32>,
      %parallel_loop3A_230 = vector.shape_cast %parallel_loop3A_229 : vector<1x1x16xf32> to vector<16xf32>
      %parallel_loop3A_231 = vector.shape_cast %parallel_loop3A_224 : vector<16xf32> to vector<1x1x16xf32>
      tpu.vector_store %arg6[%parallel_loop3A_226, %parallel_loop3A_227, %parallel_loop3A_228], %parallel_loop3A_231 {strides = array<i32>} : memref<2x128x128xf32, #tpu.memory_space<vmem>>, vector<1x1x16xf32>,
      %parallel_loop3A_232 = arith.constant 0 : i32
      %parallel_loop3A_233 = arith.constant 0 : i32
      %parallel_loop3A_234 = arith.index_cast %parallel_loop3A_232 : i32 to index
      %parallel_loop3A_235 = arith.index_cast %parallel_loop3A_106 : i32 to index
      %parallel_loop3A_236 = arith.index_cast %parallel_loop3A_233 : i32 to index
      %parallel_loop3A_237 = arith.constant 80 : index
      %parallel_loop3A_238 = tpu.vector_load %arg5[%parallel_loop3A_234, %parallel_loop3A_235, %parallel_loop3A_236, %parallel_loop3A_237] {strides = array<i32>} : memref<2x128x2x128xf32, #tpu.memory_space<vmem>>, vector<1x1x1x16xf32>,
      %parallel_loop3A_239 = vector.shape_cast %parallel_loop3A_238 : vector<1x1x1x16xf32> to vector<16xf32>
      %parallel_loop3A_240 = arith.constant 0 : i32
      %parallel_loop3A_241 = arith.constant 1 : i32
      %parallel_loop3A_242 = arith.index_cast %parallel_loop3A_240 : i32 to index
      %parallel_loop3A_243 = arith.index_cast %parallel_loop3A_106 : i32 to index
      %parallel_loop3A_244 = arith.index_cast %parallel_loop3A_241 : i32 to index
      %parallel_loop3A_245 = arith.constant 80 : index
      %parallel_loop3A_246 = tpu.vector_load %arg5[%parallel_loop3A_242, %parallel_loop3A_243, %parallel_loop3A_244, %parallel_loop3A_245] {strides = array<i32>} : memref<2x128x2x128xf32, #tpu.memory_space<vmem>>, vector<1x1x1x16xf32>,
      %parallel_loop3A_247 = vector.shape_cast %parallel_loop3A_246 : vector<1x1x1x16xf32> to vector<16xf32>
      %parallel_loop3A_248 = arith.addf %get3A_19, %parallel_loop3A_239 : vector<16xf32>
      %parallel_loop3A_249 = arith.subf %parallel_loop3A_248, %parallel_loop3A_247 : vector<16xf32>
      %parallel_loop3A_250 = arith.constant 0 : i32
      %parallel_loop3A_251 = arith.index_cast %parallel_loop3A_250 : i32 to index
      %parallel_loop3A_252 = arith.index_cast %parallel_loop3A_106 : i32 to index
      %parallel_loop3A_253 = arith.constant 80 : index
      %parallel_loop3A_254 = tpu.vector_load %arg6[%parallel_loop3A_251, %parallel_loop3A_252, %parallel_loop3A_253] {strides = array<i32>} : memref<2x128x128xf32, #tpu.memory_space<vmem>>, vector<1x1x16xf32>,
      %parallel_loop3A_255 = vector.shape_cast %parallel_loop3A_254 : vector<1x1x16xf32> to vector<16xf32>
      %parallel_loop3A_256 = vector.shape_cast %parallel_loop3A_249 : vector<16xf32> to vector<1x1x16xf32>
      tpu.vector_store %arg6[%parallel_loop3A_251, %parallel_loop3A_252, %parallel_loop3A_253], %parallel_loop3A_256 {strides = array<i32>} : memref<2x128x128xf32, #tpu.memory_space<vmem>>, vector<1x1x16xf32>,
      %parallel_loop3A_257 = arith.constant 0 : i32
      %parallel_loop3A_258 = arith.constant 0 : i32
      %parallel_loop3A_259 = arith.index_cast %parallel_loop3A_257 : i32 to index
      %parallel_loop3A_260 = arith.index_cast %parallel_loop3A_106 : i32 to index
      %parallel_loop3A_261 = arith.index_cast %parallel_loop3A_258 : i32 to index
      %parallel_loop3A_262 = arith.constant 96 : index
      %parallel_loop3A_263 = tpu.vector_load %arg5[%parallel_loop3A_259, %parallel_loop3A_260, %parallel_loop3A_261, %parallel_loop3A_262] {strides = array<i32>} : memref<2x128x2x128xf32, #tpu.memory_space<vmem>>, vector<1x1x1x16xf32>,
      %parallel_loop3A_264 = vector.shape_cast %parallel_loop3A_263 : vector<1x1x1x16xf32> to vector<16xf32>
      %parallel_loop3A_265 = arith.constant 0 : i32
      %parallel_loop3A_266 = arith.constant 1 : i32
      %parallel_loop3A_267 = arith.index_cast %parallel_loop3A_265 : i32 to index
      %parallel_loop3A_268 = arith.index_cast %parallel_loop3A_106 : i32 to index
      %parallel_loop3A_269 = arith.index_cast %parallel_loop3A_266 : i32 to index
      %parallel_loop3A_270 = arith.constant 96 : index
      %parallel_loop3A_271 = tpu.vector_load %arg5[%parallel_loop3A_267, %parallel_loop3A_268, %parallel_loop3A_269, %parallel_loop3A_270] {strides = array<i32>} : memref<2x128x2x128xf32, #tpu.memory_space<vmem>>, vector<1x1x1x16xf32>,
      %parallel_loop3A_272 = vector.shape_cast %parallel_loop3A_271 : vector<1x1x1x16xf32> to vector<16xf32>
      %parallel_loop3A_273 = arith.addf %get3A_22, %parallel_loop3A_264 : vector<16xf32>
      %parallel_loop3A_274 = arith.subf %parallel_loop3A_273, %parallel_loop3A_272 : vector<16xf32>
      %parallel_loop3A_275 = arith.constant 0 : i32
      %parallel_loop3A_276 = arith.index_cast %parallel_loop3A_275 : i32 to index
      %parallel_loop3A_277 = arith.index_cast %parallel_loop3A_106 : i32 to index
      %parallel_loop3A_278 = arith.constant 96 : index
      %parallel_loop3A_279 = tpu.vector_load %arg6[%parallel_loop3A_276, %parallel_loop3A_277, %parallel_loop3A_278] {strides = array<i32>} : memref<2x128x128xf32, #tpu.memory_space<vmem>>, vector<1x1x16xf32>,
      %parallel_loop3A_280 = vector.shape_cast %parallel_loop3A_279 : vector<1x1x16xf32> to vector<16xf32>
      %parallel_loop3A_281 = vector.shape_cast %parallel_loop3A_274 : vector<16xf32> to vector<1x1x16xf32>
      tpu.vector_store %arg6[%parallel_loop3A_276, %parallel_loop3A_277, %parallel_loop3A_278], %parallel_loop3A_281 {strides = array<i32>} : memref<2x128x128xf32, #tpu.memory_space<vmem>>, vector<1x1x16xf32>,
      %parallel_loop3A_282 = arith.constant 0 : i32
      %parallel_loop3A_283 = arith.constant 0 : i32
      %parallel_loop3A_284 = arith.index_cast %parallel_loop3A_282 : i32 to index
      %parallel_loop3A_285 = arith.index_cast %parallel_loop3A_106 : i32 to index
      %parallel_loop3A_286 = arith.index_cast %parallel_loop3A_283 : i32 to index
      %parallel_loop3A_287 = arith.constant 112 : index
      %parallel_loop3A_288 = tpu.vector_load %arg5[%parallel_loop3A_284, %parallel_loop3A_285, %parallel_loop3A_286, %parallel_loop3A_287] {strides = array<i32>} : memref<2x128x2x128xf32, #tpu.memory_space<vmem>>, vector<1x1x1x16xf32>,
      %parallel_loop3A_289 = vector.shape_cast %parallel_loop3A_288 : vector<1x1x1x16xf32> to vector<16xf32>
      %parallel_loop3A_290 = arith.constant 0 : i32
      %parallel_loop3A_291 = arith.constant 1 : i32
      %parallel_loop3A_292 = arith.index_cast %parallel_loop3A_290 : i32 to index
      %parallel_loop3A_293 = arith.index_cast %parallel_loop3A_106 : i32 to index
      %parallel_loop3A_294 = arith.index_cast %parallel_loop3A_291 : i32 to index
      %parallel_loop3A_295 = arith.constant 112 : index
      %parallel_loop3A_296 = tpu.vector_load %arg5[%parallel_loop3A_292, %parallel_loop3A_293, %parallel_loop3A_294, %parallel_loop3A_295] {strides = array<i32>} : memref<2x128x2x128xf32, #tpu.memory_space<vmem>>, vector<1x1x1x16xf32>,
      %parallel_loop3A_297 = vector.shape_cast %parallel_loop3A_296 : vector<1x1x1x16xf32> to vector<16xf32>
      %parallel_loop3A_298 = arith.addf %get3A_25, %parallel_loop3A_289 : vector<16xf32>
      %parallel_loop3A_299 = arith.subf %parallel_loop3A_298, %parallel_loop3A_297 : vector<16xf32>
      %parallel_loop3A_300 = arith.constant 0 : i32
      %parallel_loop3A_301 = arith.index_cast %parallel_loop3A_300 : i32 to index
      %parallel_loop3A_302 = arith.index_cast %parallel_loop3A_106 : i32 to index
      %parallel_loop3A_303 = arith.constant 112 : index
      %parallel_loop3A_304 = tpu.vector_load %arg6[%parallel_loop3A_301, %parallel_loop3A_302, %parallel_loop3A_303] {strides = array<i32>} : memref<2x128x128xf32, #tpu.memory_space<vmem>>, vector<1x1x16xf32>,
      %parallel_loop3A_305 = vector.shape_cast %parallel_loop3A_304 : vector<1x1x16xf32> to vector<16xf32>
      %parallel_loop3A_306 = vector.shape_cast %parallel_loop3A_299 : vector<16xf32> to vector<1x1x16xf32>
      tpu.vector_store %arg6[%parallel_loop3A_301, %parallel_loop3A_302, %parallel_loop3A_303], %parallel_loop3A_306 {strides = array<i32>} : memref<2x128x128xf32, #tpu.memory_space<vmem>>, vector<1x1x16xf32>,
    } {sc.loop_unroll_factor = 4 : i64, sc.parallel_access}
    %add3A_70 = arith.constant 0 : i32
    %add3A_71 = arith.addi %mul3A_2, %add3A_70 : i32
    %dma_start3A_72 = arith.constant 0 : i32
    %dma_start3A_73 = arith.constant 0 : i32
    %dma_start3A_74 = arith.constant 0 : i32
    %dma_start3A_75 = arith.constant 0 : i32
    %dma_start3A_76 = tpu.memref_slice %arg6[%dma_start3A_72, %dma_start3A_74, %dma_start3A_75] : memref<2x128x128xf32, #tpu.memory_space<vmem>> -> memref<1x128x128xf32, #tpu.memory_space<vmem>>
    %dma_start3A_77 = tpu.memref_squeeze %dma_start3A_76 : memref<1x128x128xf32, #tpu.memory_space<vmem>> -> memref<128x128xf32, #tpu.memory_space<vmem>>
    %dma_start3A_78 = arith.constant 0 : i32
    %dma_start3A_79 = tpu.memref_slice %arg4[%add3A_71, %dma_start3A_78] : memref<2048x128xf32, #tpu.memory_space<hbm>> -> memref<128x128xf32, #tpu.memory_space<hbm>>
    %dma_start3A_80 = tpu.memref_slice %arg9[%dma_start3A_73] : memref<2x!tpu.dma_semaphore, #tpu.memory_space<semaphore_mem>> -> memref<1x!tpu.dma_semaphore, #tpu.memory_space<semaphore_mem>>
    %dma_start3A_81 = tpu.memref_squeeze %dma_start3A_80 : memref<1x!tpu.dma_semaphore, #tpu.memory_space<semaphore_mem>> -> memref<!tpu.dma_semaphore, #tpu.memory_space<semaphore_mem>>
    %dma_start3A_82 = arith.constant 0 : i32
    %dma_start3A_83 = tpu.memref_slice %arg4[%add3A_71, %dma_start3A_82] : memref<2048x128xf32, #tpu.memory_space<hbm>> -> memref<128x128xf32, #tpu.memory_space<hbm>>
    %dma_start3A_84 = arith.constant 0 : i32
    %dma_start3A_85 = arith.constant 0 : i32
    %dma_start3A_86 = tpu.memref_slice %arg6[%dma_start3A_72, %dma_start3A_84, %dma_start3A_85] : memref<2x128x128xf32, #tpu.memory_space<vmem>> -> memref<1x128x128xf32, #tpu.memory_space<vmem>>
    %dma_start3A_87 = tpu.memref_squeeze %dma_start3A_86 : memref<1x128x128xf32, #tpu.memory_space<vmem>> -> memref<128x128xf32, #tpu.memory_space<vmem>>
    tpu.enqueue_dma source(%dma_start3A_87 : memref<128x128xf32, #tpu.memory_space<vmem>>) target(%dma_start3A_83 : memref<128x128xf32, #tpu.memory_space<hbm>>) target_semaphore(%dma_start3A_81 : memref<!tpu.dma_semaphore, #tpu.memory_space<semaphore_mem>>)
    %add3A_88 = arith.constant 0 : i32
    %add3A_89 = arith.addi %mul3A_2, %add3A_88 : i32
    %dma_wait3A_90 = arith.constant 0 : i32
    %dma_wait3A_91 = arith.constant 0 : i32
    %dma_wait3A_92 = arith.constant 0 : i32
    %dma_wait3A_93 = arith.constant 0 : i32
    %dma_wait3A_94 = tpu.memref_slice %arg6[%dma_wait3A_90, %dma_wait3A_92, %dma_wait3A_93] : memref<2x128x128xf32, #tpu.memory_space<vmem>> -> memref<1x128x128xf32, #tpu.memory_space<vmem>>
    %dma_wait3A_95 = tpu.memref_squeeze %dma_wait3A_94 : memref<1x128x128xf32, #tpu.memory_space<vmem>> -> memref<128x128xf32, #tpu.memory_space<vmem>>
    %dma_wait3A_96 = arith.constant 0 : i32
    %dma_wait3A_97 = tpu.memref_slice %arg4[%add3A_89, %dma_wait3A_96] : memref<2048x128xf32, #tpu.memory_space<hbm>> -> memref<128x128xf32, #tpu.memory_space<hbm>>
    %dma_wait3A_98 = tpu.memref_slice %arg9[%dma_wait3A_91] : memref<2x!tpu.dma_semaphore, #tpu.memory_space<semaphore_mem>> -> memref<1x!tpu.dma_semaphore, #tpu.memory_space<semaphore_mem>>
    %dma_wait3A_99 = tpu.memref_squeeze %dma_wait3A_98 : memref<1x!tpu.dma_semaphore, #tpu.memory_space<semaphore_mem>> -> memref<!tpu.dma_semaphore, #tpu.memory_space<semaphore_mem>>
    %dma_wait3A_100 = arith.constant 0 : i32
    %dma_wait3A_101 = tpu.memref_slice %arg4[%add3A_89, %dma_wait3A_100] : memref<2048x128xf32, #tpu.memory_space<hbm>> -> memref<128x128xf32, #tpu.memory_space<hbm>>
    %dma_wait3A_102 = arith.constant 0 : i32
    %dma_wait3A_103 = arith.constant 0 : i32
    %dma_wait3A_104 = tpu.memref_slice %arg6[%dma_wait3A_90, %dma_wait3A_102, %dma_wait3A_103] : memref<2x128x128xf32, #tpu.memory_space<vmem>> -> memref<1x128x128xf32, #tpu.memory_space<vmem>>
    %dma_wait3A_105 = tpu.memref_squeeze %dma_wait3A_104 : memref<1x128x128xf32, #tpu.memory_space<vmem>> -> memref<128x128xf32, #tpu.memory_space<vmem>>
    tpu.wait_dma2 semaphore(%dma_wait3A_99 : memref<!tpu.dma_semaphore, #tpu.memory_space<semaphore_mem>>) src(%dma_wait3A_105 : memref<128x128xf32, #tpu.memory_space<vmem>>) dst(%dma_wait3A_101 : memref<128x128xf32, #tpu.memory_space<hbm>>)
    return
  }
}

module attributes {stable_mosaic.version = 14 : i64} {
  func.func @body(%arg0: i32, %arg1: memref<2048x2x128xf32, #tpu.memory_space<vmem>>, %arg2: memref<1x128xf32, #tpu.memory_space<vmem>>, %arg3: memref<2048x128xf32, #tpu.memory_space<vmem>>) attributes {dimension_semantics = [#tpu.dimension_semantics<arbitrary>], iteration_bounds = array<i64: 7>, scalar_prefetch = 0 : i64, scratch_operands = 0 : i64, tpu.core_type = #tpu.core_type<tc>, window_params = [{transform_indices = @transform_0, window_bounds = array<i64: 2048, 2, 128>}, {pipeline_mode = #tpu.pipeline_mode<synchronous>, transform_indices = @transform_1, window_bounds = array<i64: 1, 128>}, {transform_indices = @transform_2, window_bounds = array<i64: 2048, 128>}]} {
    %get3A = arith.constant 0 : index
    %get3A_0 = arith.constant 0 : index
    %get3A_1 = vector.load %arg2[%get3A, %get3A_0] : memref<1x128xf32, #tpu.memory_space<vmem>>, vector<1x128xf32>
    %get3A_2 = arith.constant 0 : index
    %get3A_3 = arith.constant 0 : index
    %get3A_4 = arith.constant 0 : index
    %get3A_5 = vector.load %arg1[%get3A_2, %get3A_3, %get3A_4] : memref<2048x2x128xf32, #tpu.memory_space<vmem>>, vector<2048x1x128xf32>
    %get3A_6 = vector.shape_cast %get3A_5 : vector<2048x1x128xf32> to vector<2048x128xf32>
    %add3A = vector.broadcast %get3A_1 : vector<1x128xf32> to vector<2048x128xf32>
    %add3A_7 = arith.addf %add3A, %get3A_6 : vector<2048x128xf32>
    %get3A_8 = arith.constant 0 : index
    %get3A_9 = arith.constant 1 : index
    %get3A_10 = arith.constant 0 : index
    %get3A_11 = vector.load %arg1[%get3A_8, %get3A_9, %get3A_10] : memref<2048x2x128xf32, #tpu.memory_space<vmem>>, vector<2048x1x128xf32>
    %get3A_12 = vector.shape_cast %get3A_11 : vector<2048x1x128xf32> to vector<2048x128xf32>
    %sub3A = arith.subf %add3A_7, %get3A_12 : vector<2048x128xf32>
    %swap3A = arith.constant 0 : index
    %swap3A_13 = arith.constant 0 : index
    %swap3A_14 = vector.load %arg3[%swap3A, %swap3A_13] : memref<2048x128xf32, #tpu.memory_space<vmem>>, vector<2048x128xf32>
    tpu.vector_store %arg3[%swap3A, %swap3A_13], %sub3A {strides = array<i32>} : memref<2048x128xf32, #tpu.memory_space<vmem>>, vector<2048x128xf32>,
    return
  }
  func.func @transform_0(%arg0: i32) -> (i32, i32, i32) {
    %add3A = arith.constant 1 : i32
    %add3A_0 = arith.addi %add3A, %arg0 : i32
    %c0_i32 = arith.constant 0 : i32
    %c0_i32_1 = arith.constant 0 : i32
    %c0_i32_2 = arith.constant 0 : i32
    return %add3A_0, %c0_i32, %c0_i32_1 : i32, i32, i32
  }
  func.func @transform_1(%arg0: i32) -> (i32, i32) {
    %c0_i32 = arith.constant 0 : i32
    %c0_i32_0 = arith.constant 0 : i32
    %c0_i32_1 = arith.constant 0 : i32
    return %c0_i32, %c0_i32_0 : i32, i32
  }
  func.func @transform_2(%arg0: i32) -> (i32, i32) {
    %add3A = arith.constant 1 : i32
    %add3A_0 = arith.addi %add3A, %arg0 : i32
    %c0_i32 = arith.constant 0 : i32
    %c0_i32_1 = arith.constant 0 : i32
    return %add3A_0, %c0_i32 : i32, i32
  }
}

</mosaic_0001>

<sc_bundles>
// kernel: kernel.4.cloned.1.call-start
scs
__scs_entry_jumppad:
0x0: {  	(pc) =	sbr.rel $0x88, $3  }
0x1: {  	(tag) =	ssettag $0x0;
	lr =	simm.s32 $0x1  }
0x2: {  	[smem:$0x3F9F] =	sst lr;
	_ =	strace $0xD0000000  }
0x3: {  	_ = 	snop  }
0x4: {  	_ = 	snop  }
0x5: {  	_ = 	snop  }
0x6: {  	_ = 	snop  }
0x7: {  	_ = 	snop  }
__scs_overlays_trampoline_lowered:
0x8: {  	[smem:$0x3FAE] =	sst s0  }
0x9: {  	[smem:$0x3FAF] =	sst s1  }
0xa: {  	[smem:$0x3FB0] =	sst s2  }
0xb: {  	[smem:$0x3FB1] =	sst s3  }
0xc: {  	[smem:$0x3FB2] =	sst s4  }
0xd: {  	[smem:$0x3FB3] =	sst s5  }
0xe: {  	[smem:$0x3FB4] =	sst s6  }
0xf: {  	[smem:$0x3FB5] =	sst s7  }
0x10: {  	[smem:$0x3FB6] =	sst s8  }
0x11: {  	[smem:$0x3FB7] =	sst s9;
	s0 =	simm.s32 @!p0 $0x0  }
0x12: {  	s1 =	sld [smem:$0x3F9D];
	s0 =	simm.s32 @p0 $0x1  }
0x13: {  	[smem:$0x3FB8] =	sst s0;
	s0 =	simm.s32 @!p1 $0x0  }
0x14: {  	s2 =	sld [smem:$0x3F9C];
	s0 =	simm.s32 @p1 $0x1  }
0x15: {  	[smem:$0x3FB9] =	sst s0;
	s0 =	simm.s32 @!p2 $0x0  }
0x16: {  	s3 =	sld [smem:$0x3FDB];
	s0 =	simm.s32 @p2 $0x1  }
0x17: {  	s4 =	simm.s32 $0x1BF5;
	[smem:$0x3FBB] =	sst s0  }
0x18: {  	s0 =	sld [smem:$0x3F9E];
	_ =	swait.ge [sflag:s4], $0x0  }
0x19: {  	s7 =	sld [smem:$0x3F9F]  }
0x1a: {  	s8 =	sadd.s32 $0xFFFFE003, lr  }
0x1b: {  	s9 =	sadd.s32 $0xFFFFFEF7, lr;
	s5 =	simm.s32 $0xFFFFFFFF;
	p2 =	slt.u32 s8, $0xFFFFF086  }
0x1c: {  	p1 =	slt.u32 s9, $0xF7A;
	s5 =	simm.s32 @!p2 $0x0  }
0x1d: {  	s5 =	simm.s32 @p1 $0x1;
	p0 =	seq.s32 s7, s2  }
0x1e: {  	s7 =	smul.u32 @!p0 $0xF7A, s2;
	p2 =	seq.s32 @!p0 s5, $0x0  }
0x1f: {  	s9 =	smul.u32 $0xF7A, s1;
	s8 =	simm.s32 @!p0 $0x1BF5;
	p2 =	por !p2, p0  }
0x20: {  	[sflag:s8] =	ssyncset.s32 @!p0 $0xFFFFF086;
	s6 =	sadd.s32 @!p0 s3, s7;
	s7 =	simm.s32 @!p0 $0x108  }
0x21: {  	s3 =	sadd.s32 s3, s9;
	s6 =	sadd.s32 @!p0 $0x88, s6;
	s7 =	simm.s32 @p2 $0x1082  }
0x22: {  	[simem:s7], [sflag:s8] =	dma.local @!p0 [hbm:s6], $0xF7A  }
0x23: {  	s9 =	sor.u32 $0xD0000000, s2;
	s6 =	simm.s32 $0x108;
	_ =	swait.ge @!p0 [sflag:s8], $0x0  }
0x24: {  	s3 =	sadd.s32 $0x88, s3;
	s6 =	simm.s32 @!p1 $0x1082;
	[sflag:s4] =	ssyncset.s32 $0xFFFFF086  }
0x25: {  	[simem:s6], [sflag:s4] =	dma.local [hbm:s3], $0xF7A  }
0x26: {  	[smem:$0x3F9F] =	sst s1;
	(tag) =	ssettag s2;
	_ =	strace s9  }
0x27: {  	s1 =	sld [smem:$0x3FAF]  }
0x28: {  	s2 =	sld [smem:$0x3FB0]  }
0x29: {  	s4 =	sld [smem:$0x3FB2]  }
0x2a: {  	p0 =	seq.s32 s5, $0x0;
	s5 =	sld [smem:$0x3FB3]  }
0x2b: {  	s6 =	sld [smem:$0x3FB4]  }
0x2c: {  	s7 =	sld [smem:$0x3FB5]  }
0x2d: {  	s3 =	simm.s32 $0x108;
	s8 =	sld [smem:$0x3FB6]  }
0x2e: {  	s3 =	simm.s32 @!p0 $0x1082;
	s9 =	sld [smem:$0x3FB7]  }
0x2f: {  	lr =	sadd.s32 s0, s3;
	s0 =	sld [smem:$0x3FAE]  }
0x30: {  	s3 =	sld [smem:$0x3FB1]  }
0x31: {  	[smem:$0x3FBA] =	sst s10  }
0x32: {  	s10 =	sld [smem:$0x3FB8];
	_ =	sdelay $0x3  }
0x33: {  	p0 =	seq.s32 s10, $0x1;
	s10 =	sld [smem:$0x3FBA];
	_ =	sdelay $0x3  }
0x34: {  	[smem:$0x3FBA] =	sst s10  }
0x35: {  	s10 =	sld [smem:$0x3FB9];
	_ =	sdelay $0x3  }
0x36: {  	p1 =	seq.s32 s10, $0x1;
	s10 =	sld [smem:$0x3FBA];
	_ =	sdelay $0x3  }
0x37: {  	[smem:$0x3FBA] =	sst s10  }
0x38: {  	s10 =	sld [smem:$0x3FBB]  }
0x39: {  	_ = 	snop;
	(pc) =	sbr.ind lr, $3  }
0x3a: {  	_ = 	snop  }
0x3b: {  	_ = 	snop  }
0x3c: {  	p2 =	seq.s32 s10, $0x1;
	s10 =	sld [smem:$0x3FBA]  }
0x3d: {  	_ =	shalt  }
0x3e: {  	_ =	shalt  }
0x3f: {  	_ =	shalt  }
0x40: {  	_ =	shalt  }
0x41: {  	_ =	shalt  }
0x42: {  	_ =	shalt  }
0x43: {  	_ =	shalt  }
0x44: {  	_ =	shalt  }
0x45: {  	_ =	shalt  }
0x46: {  	_ =	shalt  }
0x47: {  	_ =	shalt  }
0x48: {  	_ =	shalt  }
0x49: {  	_ =	shalt  }
0x4a: {  	_ =	shalt  }
0x4b: {  	_ =	shalt  }
0x4c: {  	_ =	shalt  }
0x4d: {  	_ =	shalt  }
0x4e: {  	_ =	shalt  }
0x4f: {  	_ =	shalt  }
0x50: {  	_ =	shalt  }
0x51: {  	_ =	shalt  }
0x52: {  	_ =	shalt  }
0x53: {  	_ =	shalt  }
0x54: {  	_ =	shalt  }
0x55: {  	_ =	shalt  }
0x56: {  	_ =	shalt  }
0x57: {  	_ =	shalt  }
0x58: {  	_ =	shalt  }
0x59: {  	_ =	shalt  }
0x5a: {  	_ =	shalt  }
0x5b: {  	_ =	shalt  }
0x5c: {  	_ =	shalt  }
0x5d: {  	_ =	shalt  }
0x5e: {  	_ =	shalt  }
0x5f: {  	_ =	shalt  }
0x60: {  	_ =	shalt  }
0x61: {  	_ =	shalt  }
0x62: {  	_ =	shalt  }
0x63: {  	_ =	shalt  }
0x64: {  	_ =	shalt  }
0x65: {  	_ =	shalt  }
0x66: {  	_ =	shalt  }
0x67: {  	_ =	shalt  }
0x68: {  	_ =	shalt  }
0x69: {  	_ =	shalt  }
0x6a: {  	_ =	shalt  }
0x6b: {  	_ =	shalt  }
0x6c: {  	_ =	shalt  }
0x6d: {  	_ =	shalt  }
0x6e: {  	_ =	shalt  }
0x6f: {  	_ =	shalt  }
0x70: {  	_ =	shalt  }
0x71: {  	_ =	shalt  }
0x72: {  	_ =	shalt  }
0x73: {  	_ =	shalt  }
0x74: {  	_ =	shalt  }
0x75: {  	_ =	shalt  }
0x76: {  	_ =	shalt  }
0x77: {  	_ =	shalt  }
0x78: {  	_ =	shalt  }
0x79: {  	_ =	shalt  }
0x7a: {  	_ =	shalt  }
0x7b: {  	_ =	shalt  }
0x7c: {  	_ =	shalt  }
0x7d: {  	_ =	shalt  }
0x7e: {  	_ =	shalt  }
0x7f: {  	_ =	shalt  }
0x80: {  	_ =	shalt  }
0x81: {  	_ =	shalt  }
0x82: {  	_ =	shalt  }
0x83: {  	_ =	shalt  }
0x84: {  	_ =	shalt  }
0x85: {  	_ =	shalt  }
0x86: {  	_ =	shalt  }
0x87: {  	_ =	shalt  }
.Lfunc_end0:
.L_simem_size_0:
called_computation_lowered:
.L_overlay_start_0:
0x88: {  	s0 =	sld [smem:$0x3FD9]  }
0x89: {  	s1 =	sld [smem:$0x3FFE];
	_ =	sdelay $0x3  }
0x8a: {  	s0 =	sadd.s32 s1, s0  }
0x8b: {  	[smem:$0x3FC6] =	sst s0  }
0x8c: {  	_ = 	snop  }
0x8d: {  	s0 =	sld [smem:$0x3FC9]  }
0x8e: {  	s16 =	sld [smem:$0x3FC8];
	(tm) =	ssettm $0x1  }
0x8f: {  	s2 =	sld [smem:$0x3FFB];
	_ =	sdelay $0x3  }
0x90: {  	_ =	strace s2  }
0x91: {  	s2 =	sld [smem:$0x3FFC];
	_ =	sdelay $0x3  }
0x92: {  	_ =	strace s2  }
0x93: {  	s2 =	sld [smem:$0x3FFD];
	_ =	sdelay $0x3  }
0x94: {  	_ =	strace s2  }
0x95: {  	_ =	strace $0x8FFFFFFF  }
0x96: {  	s17 =	sld [smem:$0x3FDB];
	_ =	sdelay $0x1  }
0x97: {  	s3 =	simm.s32 $_scs_section_size  }
0x98: {  	s4 =	simm.s32 $_size__tile_overlayer_lowered;
	s5 =	simm.s32 $_tile_overlayer_lowered  }
0x99: {  	s20 =	simm.s32 $0x1BFF;
	s19 =	sshll.u32 s5, $0x1;
	s2 =	sadd.s32 s3, s17  }
0x9a: {  	s6 =	simm.s32 $0x0;
	s18 =	sshll.u32 s4, $0x1;
	s4 =	sadd.s32 s19, s2  }
0x9b: {  	[timem:s6], [sflag:s20] =	dma.local [hbm:s4], s18  }
0x9c: {  	_ =	swait.ge [sflag:s20], s18  }
0x9d: {  	s3 =	ssub.s32 $0x0, s18;
	[sflag:s20] =	ssyncset.done $0x0  }
0x9e: {  	[sflag:s20] =	ssyncadd.s32 s3;
	_ =	sdelay $0x1  }
0x9f: {  	s21 =	simm.s32 $0x1B8B  }
0xa0: {  	_ =	swait.ge [sflag:s21], $0x1  }
0xa1: {  	[sflag:s21] =	ssyncset.done $0x0  }
0xa2: {  	s23 =	simm.s32 $0x1B8E;
	s22 =	sld [smem:$0x3FFE];
	[sflag:s21] =	ssyncadd.s32 $0xFFFFFFFF  }
0xa3: {  	s24 =	simm.s32 $execute0_lowered;
	[smem:$0x3FD2] =	sst s23  }
0xa4: {  	s4 =	sshll.u32 s24, $0x1;
	_ =	strace $0x80000046;
	[dreg:$0x1] =	wrdreg $0xFFFFFFFF  }
0xa5: {  	s25 =	simm.s32 $_size_execute0_lowered;
	s2 =	sadd.s32 s2, s4;
	[dreg:$0x0] =	wrdreg $0x0  }
0xa6: {  	s4 =	sshll.u32 s25, $0x1;
	[dreg:$0x2] =	wrdreg s2  }
0xa7: {  	[dreg:$0x3] =	wrdreg s4  }
0xa8: {  	[dreg:$0x4] =	wrdreg $0xC0  }
0xa9: {  	_ =	task [dreg:s6], $0x5FFFF  }
0xaa: {  	[dreg:$0x1] =	wrdreg $0xFFFFFFFF  }
0xab: {  	[dreg:$0x0] =	wrdreg $0x60  }
0xac: {  	[dreg:$0x2] =	wrdreg s0  }
0xad: {  	[dreg:$0x3] =	wrdreg s16  }
0xae: {  	[dreg:$0x4] =	wrdreg s22  }
0xaf: {  	[dreg:$0x5] =	wrdreg $0x9  }
0xb0: {  	_ =	task.clear_ibuf [dreg:s6], $0x6FFFF;
	_ =	strace $0x90000046  }
0xb1: {  	s26 =	simm.s32 $0x9;
	_ =	strace $0x80000048  }
0xb2: {  	_ =	swait.ge [sflag:s26], $0x1  }
0xb3: {  	[sflag:s26] =	ssyncadd.s32 $0xFFFFFFFF  }
0xb4: {  	_ =	strace $0x90000048  }
0xb5: {  	_ =	sfence  }
0xb6: {  	s28 =	sld [smem:$0x0];
	_ =	sdelay $0x1  }
0xb7: {  	s29 =	srdreg.scid  }
0xb8: {  	s30 =	sshll.u32 s29, $0xD;
	s31 =	sshrl.u32 s29, $0x2  }
0xb9: {  	s1 =	sand.u32 $0x1, s29;
	s2 =	sand.u32 $0x4000, s30;
	s0 =	sadd.s32 s31, s28  }
0xba: {  	s1 =	sor.u32 s2, s1;
	s0 =	sshll.u32 s0, $0x11  }
0xbb: {  	s0 =	sor.u32 s0, s1  }
0xbc: {  	s0 =	sadd.s32 $0x8F2B, s0  }
0xbd: {  	[sflag:s0] =	ssyncadd.remote.s32 $0x1  }
0xbe: {  	_ =	sfence.sel $0xFFFF  }
0xbf: {  	[dreg:$0x0] =	wrdreg $0xFFFFFFFF;
	(pc) =	sbr.abs _section_cstart, $3  }
0xc0: {  	[dreg:$0x1] =	wrdreg $0xFFFFFFFF  }
0xc1: {  	_ =	task.clear_ibuf [dreg:s6], $0x2FFFF;
	_ =	strace $0x9FFFFFFF  }
0xc2: {  	(tm) =	ssettm $0x7FFFFFFF  }
0xc3: {  	_ =	shalt  }
tec
execute0_lowered:
.L_overlay_start_1:
0x0: {  	(tag) =	ssettag $0x1  }
0x1: {  	s2 =	rddreg [dreg:$0x0]  }
0x2: {  	s1 =	rddreg [dreg:$0x1]  }
0x3: {  	s5 =	rddreg [dreg:$0x2]  }
0x4: {  	s0 =	rddreg [dreg:$0x3];
	s3 =	simm.s32 $0x0  }
0x5: {  	[smem:$0x7FF] =	sst s3  }
0x6: {  	s4 =	simm.s32 $0x18000;
	s29 =	simm.s32 $0x5;
	_ =	strace $0x80000047  }
0x7: {  	[tilespmem:s4], [sflag:$0x5] =	stream.linear.gather [hbm4b:s1+s3], $0x80, $0x38;
	[tilespmem:$0x18080] =	vst v63  }
0x8: {  	_ =	swait.ge [sflag:s29], $0x80  }
0x9: {  	[sflag:s29] =	ssyncset.done $0x0  }
0xa: {  	[sflag:s29] =	ssyncadd.s32 $0xFFFFFF80  }
0xb: {  	v2 =	vld [tilespmem:$0x18000]  }
0xc: {  	v3 =	vld [tilespmem:$0x18010]  }
0xd: {  	v4 =	vld [tilespmem:$0x18020]  }
0xe: {  	v5 =	vld [tilespmem:$0x18030]  }
0xf: {  	s1 =	stileid.u32;
	v6 =	vld [tilespmem:$0x18040]  }
0x10: {  	s30 =	sshll.u32 s1, $0xC;
	v7 =	vld [tilespmem:$0x18050]  }
0x11: {  	s31 =	simm.s32 $0x1;
	s2 =	sadd.s32 s2, s30;
	v1 =	vld [tilespmem:$0x18060]  }
0x12: {  	v0 =	vld [tilespmem:$0x18070];
	[tilespmem:s3], [sflag:$0x1] =	stream.linear.gather [hbm4b:s2+s3], $0x8000, $0x38  }
0x13: {  	_ =	swait.ge [sflag:s31], $0x8000  }
0x14: {  	[sflag:s31] =	ssyncset.done $0x0  }
0x15: {  	s6 =	simm.s32 $0x200;
	[sflag:s31] =	ssyncadd.s32 $0xFFFF8000  }
0x16: {  	v8 =	vld [tilespmem:s6+$0x100];
	_ =	sdelay $0x1  }
0x17: {  	v9 =	vld [tilespmem:s6+$0x180]  }
0x18: {  	v10 =	vld [tilespmem:s6+$0xFFFFFF00]  }
0x19: {  	v11 =	vld [tilespmem:s6+$0xFFFFFE00]  }
0x1a: {  	v12 =	vld [tilespmem:s6+$0x0];
	v8 =	vadd.f32 v8, v2  }
0x1b: {  	v13 =	vld [tilespmem:s6+$0xFFFFFE80]  }
0x1c: {  	v14 =	vld [tilespmem:s6+$0xFFFFFF80];
	v8 =	vsub.f32 v8, v9  }
0x1d: {  	s2 =	simm.s32 $0x10100  }
0x1e: {  	v9 =	vadd.f32 v11, v2;
	v11 =	vld [tilespmem:s6+$0x80];
	[tilespmem:s2+$0x80] =	vst v8  }
0x1f: {  	v8 =	vadd.f32 v10, v2;
	v10 =	vld [tilespmem:s6+$0x110]  }
0x20: {  	v9 =	vsub.f32 v9, v13  }
0x21: {  	v12 =	vadd.f32 v12, v2;
	v13 =	vld [tilespmem:s6+$0x190];
	v8 =	vsub.f32 v8, v14  }
0x22: {  	[tilespmem:s2+$0xFFFFFF00] =	vst v9  }
0x23: {  	v9 =	vld [tilespmem:s6+$0xFFFFFE10];
	[tilespmem:s2+$0xFFFFFF80] =	vst v8;
	v8 =	vsub.f32 v12, v11  }
0x24: {  	v12 =	vld [tilespmem:s6+$0xFFFFFE90];
	v10 =	vadd.f32 v10, v3  }
0x25: {  	v11 =	vld [tilespmem:s6+$0xFFFFFF10];
	[tilespmem:s2+$0x0] =	vst v8  }
0x26: {  	v8 =	vld [tilespmem:s6+$0x10];
	v10 =	vsub.f32 v10, v13  }
0x27: {  	v13 =	vld [tilespmem:s6+$0xFFFFFF90]  }
0x28: {  	v14 =	vld [tilespmem:s6+$0x90];
	v9 =	vadd.f32 v9, v3;
	[tilespmem:s2+$0x90] =	vst v10  }
0x29: {  	v10 =	vld [tilespmem:s6+$0x120]  }
0x2a: {  	v11 =	vadd.f32 v11, v3;
	v9 =	vsub.f32 v9, v12  }
0x2b: {  	v12 =	vld [tilespmem:s6+$0x1A0]  }
0x2c: {  	v8 =	vadd.f32 v8, v3;
	[tilespmem:s2+$0xFFFFFF10] =	vst v9;
	v9 =	vsub.f32 v11, v13;
	_ =	sdelay $0x1  }
0x2d: {  	v11 =	vld [tilespmem:s6+$0xFFFFFE20];
	v8 =	vsub.f32 v8, v14;
	[tilespmem:s2+$0xFFFFFF90] =	vst v9;
	v9 =	vadd.f32 v10, v4  }
0x2e: {  	v13 =	vld [tilespmem:s6+$0xFFFFFEA0]  }
0x2f: {  	v10 =	vld [tilespmem:s6+$0xFFFFFF20];
	[tilespmem:s2+$0x10] =	vst v8;
	v9 =	vsub.f32 v9, v12  }
0x30: {  	v8 =	vld [tilespmem:s6+$0x20]  }
0x31: {  	v14 =	vld [tilespmem:s6+$0xA0];
	[tilespmem:s2+$0xA0] =	vst v9  }
0x32: {  	v11 =	vadd.f32 v11, v4;
	v9 =	vld [tilespmem:s6+$0x130]  }
0x33: {  	v12 =	vld [tilespmem:s6+$0xFFFFFFA0]  }
0x34: {  	v11 =	vsub.f32 v11, v13;
	v13 =	vld [tilespmem:s6+$0x1B0]  }
0x35: {  	v8 =	vadd.f32 v8, v4  }
0x36: {  	v10 =	vadd.f32 v10, v4;
	[tilespmem:s2+$0xFFFFFF20] =	vst v11  }
0x37: {  	v11 =	vld [tilespmem:s6+$0xFFFFFE30];
	v8 =	vsub.f32 v8, v14;
	v9 =	vadd.f32 v9, v5;
	_ =	sdelay $0x1  }
0x38: {  	v10 =	vsub.f32 v10, v12;
	v12 =	vld [tilespmem:s6+$0xFFFFFEB0];
	[tilespmem:s2+$0x20] =	vst v8;
	v9 =	vsub.f32 v9, v13  }
0x39: {  	v8 =	vld [tilespmem:s6+$0x30]  }
0x3a: {  	v14 =	vld [tilespmem:s6+$0xB0];
	[tilespmem:s2+$0xB0] =	vst v9  }
0x3b: {  	[tilespmem:s2+$0xFFFFFFA0] =	vst v10;
	v9 =	vadd.f32 v11, v5;
	v11 =	vld [tilespmem:s6+$0x140]  }
0x3c: {  	v10 =	vld [tilespmem:s6+$0xFFFFFF30]  }
0x3d: {  	v9 =	vsub.f32 v9, v12;
	v12 =	vld [tilespmem:s6+$0x1C0]  }
0x3e: {  	v13 =	vld [tilespmem:s6+$0xFFFFFFB0];
	v8 =	vadd.f32 v8, v5;
	_ =	sdelay $0x1  }
0x3f: {  	v8 =	vsub.f32 v8, v14;
	v11 =	vadd.f32 v11, v6  }
0x40: {  	s3 =	simm.s32 $0x600;
	v10 =	vadd.f32 v10, v5;
	[tilespmem:s2+$0xFFFFFF30] =	vst v9  }
0x41: {  	v16 =	vld [tilespmem:s3+$0x100];
	[tilespmem:s2+$0x30] =	vst v8;
	v8 =	vsub.f32 v11, v12  }
0x42: {  	v9 =	vsub.f32 v10, v13;
	v10 =	vld [tilespmem:s6+$0xFFFFFE40]  }
0x43: {  	v13 =	vld [tilespmem:s6+$0xFFFFFEC0];
	[tilespmem:s2+$0xC0] =	vst v8  }
0x44: {  	[tilespmem:s2+$0xFFFFFFB0] =	vst v9;
	v8 =	vld [tilespmem:s6+$0x150]  }
0x45: {  	v9 =	vld [tilespmem:s6+$0xFFFFFF40]  }
0x46: {  	v15 =	vld [tilespmem:s6+$0x1D0]  }
0x47: {  	v12 =	vld [tilespmem:s6+$0xFFFFFFC0];
	v10 =	vadd.f32 v10, v6  }
0x48: {  	v17 =	vld [tilespmem:s3+$0xFFFFFF00]  }
0x49: {  	v11 =	vld [tilespmem:s6+$0x40];
	v10 =	vsub.f32 v10, v13;
	v8 =	vadd.f32 v8, v7  }
0x4a: {  	v18 =	vld [tilespmem:s3+$0x180];
	v9 =	vadd.f32 v9, v6  }
0x4b: {  	v14 =	vld [tilespmem:s6+$0xC0];
	[tilespmem:s2+$0xFFFFFF40] =	vst v10;
	v8 =	vsub.f32 v8, v15  }
0x4c: {  	v9 =	vsub.f32 v9, v12;
	v10 =	vld [tilespmem:s6+$0xFFFFFE50]  }
0x4d: {  	v12 =	vld [tilespmem:s6+$0xFFFFFED0];
	[tilespmem:s2+$0xD0] =	vst v8  }
0x4e: {  	v11 =	vadd.f32 v11, v6;
	[tilespmem:s2+$0xFFFFFFC0] =	vst v9;
	v8 =	vld [tilespmem:s6+$0x160]  }
0x4f: {  	v9 =	vld [tilespmem:s6+$0xFFFFFF50]  }
0x50: {  	v11 =	vsub.f32 v11, v14;
	v14 =	vld [tilespmem:s6+$0x1E0]  }
0x51: {  	v19 =	vld [tilespmem:s3+$0x0]  }
0x52: {  	v13 =	vld [tilespmem:s6+$0xFFFFFFD0];
	v10 =	vadd.f32 v10, v7  }
0x53: {  	v20 =	vld [tilespmem:s3+$0xFFFFFE80];
	v8 =	vadd.f32 v8, v1  }
0x54: {  	v21 =	vld [tilespmem:s3+$0xFFFFFF80];
	v16 =	vadd.f32 v16, v2;
	v10 =	vsub.f32 v10, v12  }
0x55: {  	[tilespmem:s2+$0x40] =	vst v11;
	v12 =	vadd.f32 v9, v7;
	v8 =	vsub.f32 v8, v14;
	v14 =	vld [tilespmem:s3+$0xFFFFFE00]  }
0x56: {  	v16 =	vsub.f32 v16, v18;
	v11 =	vld [tilespmem:s6+$0x50]  }
0x57: {  	s4 =	simm.s32 $0x10300;
	v18 =	vld [tilespmem:s3+$0x80];
	[tilespmem:s2+$0xFFFFFF50] =	vst v10;
	v10 =	vsub.f32 v12, v13;
	v12 =	vadd.f32 v17, v2  }
0x58: {  	[tilespmem:s4+$0x80] =	vst v16;
	v15 =	vld [tilespmem:s6+$0xD0]  }
0x59: {  	v13 =	vld [tilespmem:s3+$0x110];
	v12 =	vsub.f32 v12, v21  }
0x5a: {  	v17 =	vld [tilespmem:s3+$0x190];
	v14 =	vadd.f32 v14, v2  }
0x5b: {  	v11 =	vadd.f32 v11, v7;
	v16 =	vld [tilespmem:s6+$0xFFFFFE60];
	[tilespmem:s4+$0xFFFFFF80] =	vst v12  }
0x5c: {  	[tilespmem:s2+$0xFFFFFFD0] =	vst v10;
	v12 =	vld [tilespmem:s3+$0xFFFFFF10];
	v14 =	vsub.f32 v14, v20  }
0x5d: {  	v11 =	vsub.f32 v11, v15;
	v10 =	vadd.f32 v19, v2;
	v15 =	vld [tilespmem:s3+$0xFFFFFF90];
	[tilespmem:s2+$0xE0] =	vst v8  }
0x5e: {  	v13 =	vadd.f32 v13, v3;
	v8 =	vld [tilespmem:s6+$0x170];
	[tilespmem:s4+$0xFFFFFF00] =	vst v14  }
0x5f: {  	v10 =	vsub.f32 v10, v18;
	v19 =	vld [tilespmem:s3+$0xFFFFFE10]  }
0x60: {  	v9 =	vld [tilespmem:s6+$0x1F0];
	v13 =	vsub.f32 v13, v17  }
0x61: {  	[tilespmem:s4+$0x0] =	vst v10;
	v12 =	vadd.f32 v12, v3;
	v18 =	vld [tilespmem:s3+$0xFFFFFE90]  }
0x62: {  	v10 =	vld [tilespmem:s3+$0x10];
	[tilespmem:s4+$0x90] =	vst v13  }
0x63: {  	[tilespmem:s2+$0x50] =	vst v11;
	v11 =	vld [tilespmem:s3+$0x120];
	v12 =	vsub.f32 v12, v15  }
0x64: {  	v17 =	vadd.f32 v19, v3;
	v19 =	vld [tilespmem:s3+$0x90]  }
0x65: {  	v14 =	vld [tilespmem:s6+$0xFFFFFF60];
	[tilespmem:s4+$0xFFFFFF90] =	vst v12  }
0x66: {  	v12 =	vld [tilespmem:s3+$0xFFFFFF20];
	v13 =	vsub.f32 v17, v18  }
0x67: {  	v10 =	vadd.f32 v10, v3;
	v18 =	vld [tilespmem:s3+$0x1A0]  }
0x68: {  	v17 =	vld [tilespmem:s6+$0x60];
	[tilespmem:s4+$0xFFFFFF10] =	vst v13  }
0x69: {  	v15 =	vld [tilespmem:s3+$0xFFFFFE20];
	v10 =	vsub.f32 v10, v19  }
0x6a: {  	v11 =	vadd.f32 v11, v4;
	v13 =	vld [tilespmem:s6+$0xFFFFFEE0]  }
0x6b: {  	v19 =	vld [tilespmem:s3+$0xFFFFFEA0];
	[tilespmem:s4+$0x10] =	vst v10  }
0x6c: {  	v11 =	vsub.f32 v11, v18;
	v10 =	vld [tilespmem:s3+$0x20]  }
0x6d: {  	v18 =	vld [tilespmem:s3+$0xFFFFFFA0]  }
0x6e: {  	v60 =	vld [tilespmem:s3+$0xA0];
	[tilespmem:s4+$0xA0] =	vst v11;
	v15 =	vadd.f32 v15, v4  }
0x6f: {  	v11 =	vld [tilespmem:s3+$0x130]  }
0x70: {  	v12 =	vadd.f32 v12, v4;
	v61 =	vld [tilespmem:s3+$0x1B0];
	v15 =	vsub.f32 v15, v19  }
0x71: {  	v19 =	vld [tilespmem:s6+$0xFFFFFFE0];
	v10 =	vadd.f32 v10, v4  }
0x72: {  	v12 =	vsub.f32 v12, v18;
	[tilespmem:s4+$0xFFFFFF20] =	vst v15;
	v15 =	vld [tilespmem:s6+$0xE0]  }
0x73: {  	v10 =	vsub.f32 v10, v60;
	v18 =	vld [tilespmem:s3+$0xFFFFFE30]  }
0x74: {  	[tilespmem:s4+$0xFFFFFFA0] =	vst v12;
	v12 =	vld [tilespmem:s3+$0xFFFFFEB0];
	v11 =	vadd.f32 v11, v5  }
0x75: {  	v16 =	vadd.f32 v16, v1;
	[tilespmem:s4+$0x20] =	vst v10;
	v10 =	vld [tilespmem:s3+$0xFFFFFF30]  }
0x76: {  	v11 =	vsub.f32 v11, v61;
	v62 =	vld [tilespmem:s3+$0x30]  }
0x77: {  	v14 =	vadd.f32 v14, v1;
	v13 =	vsub.f32 v16, v13;
	v16 =	vld [tilespmem:s3+$0xFFFFFFB0]  }
0x78: {  	[tilespmem:s4+$0xB0] =	vst v11;
	v11 =	vld [tilespmem:s3+$0xB0];
	v18 =	vadd.f32 v18, v5  }
0x79: {  	[tilespmem:s2+$0xFFFFFF60] =	vst v13;
	v13 =	vsub.f32 v14, v19;
	v14 =	vld [tilespmem:s3+$0x140]  }
0x7a: {  	v19 =	vld [tilespmem:s3+$0x1C0];
	v12 =	vsub.f32 v18, v12;
	v10 =	vadd.f32 v10, v5  }
0x7b: {  	[tilespmem:s2+$0xFFFFFFE0] =	vst v13;
	v18 =	vld [tilespmem:s6+$0xFFFFFE70];
	v13 =	vadd.f32 v62, v5  }
0x7c: {  	[tilespmem:s4+$0xFFFFFF30] =	vst v12;
	v10 =	vsub.f32 v10, v16;
	v16 =	vld [tilespmem:s6+$0xFFFFFF70]  }
0x7d: {  	v12 =	vld [tilespmem:s3+$0xFFFFFE40];
	v11 =	vsub.f32 v13, v11  }
0x7e: {  	v13 =	vld [tilespmem:s3+$0xFFFFFEC0];
	[tilespmem:s4+$0xFFFFFFB0] =	vst v10;
	v10 =	vadd.f32 v14, v6  }
0x7f: {  	v14 =	vadd.f32 v17, v1;
	v17 =	vld [tilespmem:s3+$0xFFFFFF40];
	[tilespmem:s4+$0x30] =	vst v11  }
0x80: {  	v11 =	vld [tilespmem:s3+$0x40];
	v10 =	vsub.f32 v10, v19  }
0x81: {  	v14 =	vsub.f32 v14, v15;
	v15 =	vld [tilespmem:s3+$0xFFFFFFC0]  }
0x82: {  	v19 =	vld [tilespmem:s3+$0xC0];
	v12 =	vadd.f32 v12, v6;
	[tilespmem:s4+$0xC0] =	vst v10  }
0x83: {  	v10 =	vld [tilespmem:s3+$0x150]  }
0x84: {  	[tilespmem:s2+$0x60] =	vst v14;
	v14 =	vld [tilespmem:s3+$0x1D0];
	v12 =	vsub.f32 v12, v13;
	v13 =	vadd.f32 v17, v6  }
0x85: {  	v17 =	vld [tilespmem:s6+$0x70];
	v11 =	vadd.f32 v11, v6  }
0x86: {  	[tilespmem:s4+$0xFFFFFF40] =	vst v12;
	v12 =	vsub.f32 v13, v15;
	v13 =	vld [tilespmem:s6+$0xFFFFFEF0]  }
0x87: {  	v15 =	vld [tilespmem:s3+$0xFFFFFE50];
	v11 =	vsub.f32 v11, v19  }
0x88: {  	v19 =	vld [tilespmem:s3+$0xFFFFFED0];
	[tilespmem:s4+$0xFFFFFFC0] =	vst v12;
	v10 =	vadd.f32 v10, v7  }
0x89: {  	v63 =	vld [tilespmem:s3+$0xFFFFFF50];
	[tilespmem:s4+$0x40] =	vst v11  }
0x8a: {  	v8 =	vadd.f32 v8, v0;
	v11 =	vld [tilespmem:s3+$0x50];
	v10 =	vsub.f32 v10, v14  }
0x8b: {  	v12 =	vadd.f32 v18, v0;
	v18 =	vld [tilespmem:s3+$0xFFFFFFD0]  }
0x8c: {  	v8 =	vsub.f32 v8, v9;
	v14 =	vld [tilespmem:s3+$0xD0];
	v9 =	vadd.f32 v15, v7;
	[tilespmem:s4+$0xD0] =	vst v10  }
0x8d: {  	v13 =	vsub.f32 v12, v13;
	v12 =	vld [tilespmem:s3+$0x160]  }
0x8e: {  	[tilespmem:s2+$0xF0] =	vst v8;
	v10 =	vld [tilespmem:s6+$0xFFFFFFF0];
	v19 =	vsub.f32 v9, v19;
	v20 =	vadd.f32 v63, v7  }
0x8f: {  	v8 =	vadd.f32 v16, v0;
	[tilespmem:s2+$0xFFFFFF70] =	vst v13;
	v13 =	vld [tilespmem:s3+$0x1E0];
	v15 =	vadd.f32 v11, v7  }
0x90: {  	s7 =	simm.s32 $0x4;
	s8 =	simm.s32 $0xA00;
	s5 =	sadd.s32 $0x800, s5;
	v9 =	vadd.f32 v17, v0;
	v11 =	vld [tilespmem:s6+$0xF0];
	[tilespmem:s4+$0xFFFFFF50] =	vst v19;
	v16 =	vsub.f32 v20, v18  }
.LBB2_1:
0x91: {  	v17 =	vld [tilespmem:s8+$0x100];
	s7 =	sadd.s32 $0x4, s7;
	v14 =	vsub.f32 v15, v14  }
0x92: {  	v15 =	vld [tilespmem:s8+$0xFFFFFF00];
	p0 =	slt.u32 s7, $0x7C;
	[tilespmem:s4+$0xFFFFFFD0] =	vst v16;
	v12 =	vadd.f32 v12, v1  }
0x93: {  	v16 =	vld [tilespmem:s8+$0x180];
	[tilespmem:s4+$0x50] =	vst v14;
	v8 =	vsub.f32 v8, v10  }
0x94: {  	v10 =	vld [tilespmem:s8+$0x0];
	v12 =	vsub.f32 v12, v13  }
0x95: {  	v13 =	vld [tilespmem:s8+$0xFFFFFE00];
	[tilespmem:s2+$0xFFFFFFF0] =	vst v8;
	v8 =	vsub.f32 v9, v11  }
0x96: {  	v9 =	vld [tilespmem:s8+$0xFFFFFE80];
	v11 =	vadd.f32 v17, v2;
	[tilespmem:s4+$0xE0] =	vst v12  }
0x97: {  	v12 =	vadd.f32 v15, v2;
	v14 =	vld [tilespmem:s3+$0x170];
	[tilespmem:s2+$0x70] =	vst v8;
	s2 =	smov.u32 s4  }
0x98: {  	v8 =	vld [tilespmem:s8+$0xFFFFFF80];
	v11 =	vsub.f32 v11, v16  }
0x99: {  	s4 =	sadd.s32 $0x200, s4;
	v10 =	vadd.f32 v10, v2;
	v15 =	vld [tilespmem:s3+$0x1F0]  }
0x9a: {  	v13 =	vadd.f32 v13, v2;
	v16 =	vld [tilespmem:s8+$0x80];
	[tilespmem:s4+$0x80] =	vst v11  }
0x9b: {  	v11 =	vld [tilespmem:s8+$0x110]  }
0x9c: {  	v9 =	vsub.f32 v13, v9;
	v13 =	vld [tilespmem:s3+$0xFFFFFE60];
	v14 =	vadd.f32 v14, v0  }
0x9d: {  	v8 =	vsub.f32 v12, v8;
	v12 =	vld [tilespmem:s8+$0x190]  }
0x9e: {  	[tilespmem:s4+$0xFFFFFF00] =	vst v9;
	v9 =	vld [tilespmem:s3+$0xFFFFFF60];
	v14 =	vsub.f32 v14, v15  }
0x9f: {  	v15 =	vld [tilespmem:s8+$0xFFFFFE10];
	[tilespmem:s4+$0xFFFFFF80] =	vst v8;
	v8 =	vsub.f32 v10, v16  }
0xa0: {  	v10 =	vld [tilespmem:s8+$0xFFFFFF10];
	v11 =	vadd.f32 v11, v3;
	[tilespmem:s2+$0xF0] =	vst v14  }
0xa1: {  	v14 =	vld [tilespmem:s8+$0xFFFFFE90];
	[tilespmem:s4+$0x0] =	vst v8;
	v8 =	vadd.f32 v13, v1  }
0xa2: {  	v13 =	vld [tilespmem:s8+$0x10];
	v11 =	vsub.f32 v11, v12  }
0xa3: {  	v12 =	vld [tilespmem:s8+$0xFFFFFF90];
	v9 =	vadd.f32 v9, v1  }
0xa4: {  	v15 =	vadd.f32 v15, v3;
	v16 =	vld [tilespmem:s8+$0x90];
	[tilespmem:s4+$0x90] =	vst v11  }
0xa5: {  	v10 =	vadd.f32 v10, v3;
	v11 =	vld [tilespmem:s8+$0x120]  }
0xa6: {  	v14 =	vsub.f32 v15, v14;
	v15 =	vld [tilespmem:s3+$0x60]  }
0xa7: {  	v13 =	vadd.f32 v13, v3;
	v17 =	vld [tilespmem:s8+$0x1A0]  }
0xa8: {  	[tilespmem:s4+$0xFFFFFF10] =	vst v14;
	v10 =	vsub.f32 v10, v12;
	v12 =	vld [tilespmem:s3+$0xFFFFFEE0]  }
0xa9: {  	v14 =	vld [tilespmem:s8+$0xFFFFFE20];
	v13 =	vsub.f32 v13, v16  }
0xaa: {  	v16 =	vld [tilespmem:s8+$0xFFFFFEA0];
	[tilespmem:s4+$0xFFFFFF90] =	vst v10;
	v10 =	vadd.f32 v11, v4  }
0xab: {  	v11 =	vld [tilespmem:s8+$0xFFFFFF20];
	[tilespmem:s4+$0x10] =	vst v13;
	v13 =	vadd.f32 v15, v1  }
0xac: {  	v15 =	vld [tilespmem:s8+$0x20];
	v10 =	vsub.f32 v10, v17  }
0xad: {  	v17 =	vld [tilespmem:s8+$0xFFFFFFA0];
	v8 =	vsub.f32 v8, v12  }
0xae: {  	v12 =	vadd.f32 v14, v4;
	v14 =	vld [tilespmem:s8+$0xA0];
	[tilespmem:s4+$0xA0] =	vst v10  }
0xaf: {  	v10 =	vld [tilespmem:s8+$0x130];
	[tilespmem:s2+$0xFFFFFF60] =	vst v8  }
0xb0: {  	v8 =	vsub.f32 v12, v16;
	v11 =	vadd.f32 v11, v4;
	v12 =	vld [tilespmem:s3+$0xFFFFFFE0]  }
0xb1: {  	v15 =	vadd.f32 v15, v4;
	v16 =	vld [tilespmem:s8+$0x1B0]  }
0xb2: {  	[tilespmem:s4+$0xFFFFFF20] =	vst v8;
	v8 =	vsub.f32 v11, v17;
	v11 =	vld [tilespmem:s3+$0xE0]  }
0xb3: {  	v17 =	vld [tilespmem:s8+$0xFFFFFE30];
	v14 =	vsub.f32 v15, v14  }
0xb4: {  	v15 =	vld [tilespmem:s8+$0xFFFFFEB0];
	[tilespmem:s4+$0xFFFFFFA0] =	vst v8;
	v8 =	vadd.f32 v10, v5  }
0xb5: {  	v10 =	vld [tilespmem:s8+$0xFFFFFF30];
	[tilespmem:s4+$0x20] =	vst v14;
	v9 =	vsub.f32 v9, v12  }
0xb6: {  	v12 =	vld [tilespmem:s8+$0x30];
	v8 =	vsub.f32 v8, v16  }
0xb7: {  	v14 =	vld [tilespmem:s8+$0xFFFFFFB0];
	[tilespmem:s2+$0xFFFFFFE0] =	vst v9;
	v9 =	vsub.f32 v13, v11  }
0xb8: {  	v11 =	vadd.f32 v17, v5;
	v13 =	vld [tilespmem:s8+$0xB0];
	[tilespmem:s4+$0xB0] =	vst v8  }
0xb9: {  	v8 =	vld [tilespmem:s8+$0x140];
	[tilespmem:s2+$0x60] =	vst v9  }
0xba: {  	v9 =	vsub.f32 v11, v15;
	v10 =	vadd.f32 v10, v5;
	v11 =	vld [tilespmem:s3+$0xFFFFFE70]  }
0xbb: {  	v12 =	vadd.f32 v12, v5;
	v15 =	vld [tilespmem:s8+$0x1C0]  }
0xbc: {  	[tilespmem:s4+$0xFFFFFF30] =	vst v9;
	v9 =	vsub.f32 v10, v14;
	v10 =	vld [tilespmem:s3+$0xFFFFFF70]  }
0xbd: {  	v14 =	vld [tilespmem:s8+$0xFFFFFE40];
	v12 =	vsub.f32 v12, v13  }
0xbe: {  	v13 =	vld [tilespmem:s8+$0xFFFFFEC0];
	[tilespmem:s4+$0xFFFFFFB0] =	vst v9;
	v8 =	vadd.f32 v8, v6  }
0xbf: {  	v9 =	vld [tilespmem:s8+$0xFFFFFF40];
	[tilespmem:s4+$0x30] =	vst v12;
	v11 =	vadd.f32 v11, v0  }
0xc0: {  	v12 =	vld [tilespmem:s8+$0x40];
	v15 =	vsub.f32 v8, v15  }
0xc1: {  	v16 =	vld [tilespmem:s8+$0xFFFFFFC0];
	v8 =	vadd.f32 v10, v0  }
0xc2: {  	v10 =	vadd.f32 v14, v6;
	v14 =	vld [tilespmem:s8+$0xC0];
	[tilespmem:s4+$0xC0] =	vst v15  }
0xc3: {  	v15 =	vld [tilespmem:s8+$0x150]  }
0xc4: {  	v10 =	vsub.f32 v10, v13;
	v9 =	vadd.f32 v9, v6;
	v13 =	vld [tilespmem:s3+$0x70]  }
0xc5: {  	v12 =	vadd.f32 v12, v6;
	v17 =	vld [tilespmem:s8+$0x1D0]  }
0xc6: {  	[tilespmem:s4+$0xFFFFFF40] =	vst v10;
	v9 =	vsub.f32 v9, v16;
	v10 =	vld [tilespmem:s3+$0xFFFFFEF0]  }
0xc7: {  	v16 =	vld [tilespmem:s8+$0xFFFFFE50];
	v12 =	vsub.f32 v12, v14  }
0xc8: {  	v18 =	vld [tilespmem:s8+$0xFFFFFED0];
	[tilespmem:s4+$0xFFFFFFC0] =	vst v9;
	v14 =	vadd.f32 v15, v7  }
0xc9: {  	v15 =	vld [tilespmem:s8+$0xFFFFFF50];
	[tilespmem:s4+$0x40] =	vst v12;
	v9 =	vadd.f32 v13, v0  }
0xca: {  	v13 =	vld [tilespmem:s8+$0x50];
	v12 =	vsub.f32 v14, v17  }
0xcb: {  	v17 =	vld [tilespmem:s8+$0xFFFFFFD0];
	v10 =	vsub.f32 v11, v10  }
.Ltmp0:
0xcc: {  	v11 =	vadd.f32 v16, v7;
	v14 =	vld [tilespmem:s8+$0xD0];
	[tilespmem:s4+$0xD0] =	vst v12;
	(pc) =	sbr.rel @p0 .LBB2_1-.Ltmp0, $4  }
0xcd: {  	v12 =	vld [tilespmem:s8+$0x160];
	[tilespmem:s2+$0xFFFFFF70] =	vst v10  }
0xce: {  	v11 =	vsub.f32 v11, v18;
	v16 =	vadd.f32 v15, v7;
	v10 =	vld [tilespmem:s3+$0xFFFFFFF0]  }
0xcf: {  	v15 =	vadd.f32 v13, v7;
	v13 =	vld [tilespmem:s8+$0x1E0]  }
0xd0: {  	[tilespmem:s4+$0xFFFFFF50] =	vst v11;
	v16 =	vsub.f32 v16, v17;
	v11 =	vld [tilespmem:s3+$0xF0];
	s3 =	smov.u32 s8;
	s8 =	sadd.s32 $0x400, s8  }
0xd1: {  	v2 =	vsub.f32 v15, v14;
	v3 =	vld [tilespmem:s3+$0xFFFFFE60]  }
0xd2: {  	v5 =	vld [tilespmem:s3+$0xFFFFFEE0];
	[tilespmem:s4+$0xFFFFFFD0] =	vst v16  }
0xd3: {  	[tilespmem:s4+$0x50] =	vst v2;
	v52 =	vld [tilespmem:s3+$0xFFFFFF60]  }
0xd4: {  	v6 =	vadd.f32 v12, v1;
	v4 =	vld [tilespmem:s3+$0x60]  }
0xd5: {  	v7 =	vld [tilespmem:s3+$0xFFFFFFE0]  }
0xd6: {  	v53 =	vld [tilespmem:s3+$0xE0];
	v6 =	vsub.f32 v6, v13;
	v3 =	vadd.f32 v3, v1;
	_ =	sdelay $0x1  }
0xd7: {  	[tilespmem:s4+$0xE0] =	vst v6;
	v2 =	vadd.f32 v52, v1;
	v3 =	vsub.f32 v3, v5  }
0xd8: {  	v55 =	vld [tilespmem:s3+$0x170];
	v54 =	vadd.f32 v4, v1  }
0xd9: {  	v56 =	vld [tilespmem:s3+$0x1F0];
	v2 =	vsub.f32 v2, v7;
	[tilespmem:s4+$0xFFFFFF60] =	vst v3  }
0xda: {  	v1 =	vsub.f32 v54, v53;
	v57 =	vld [tilespmem:s3+$0xFFFFFE70]  }
0xdb: {  	v60 =	vld [tilespmem:s3+$0xFFFFFEF0];
	[tilespmem:s4+$0xFFFFFFE0] =	vst v2  }
0xdc: {  	[tilespmem:s4+$0x60] =	vst v1;
	v58 =	vld [tilespmem:s3+$0xFFFFFF70]  }
0xdd: {  	v59 =	vld [tilespmem:s3+$0x70]  }
0xde: {  	v61 =	vld [tilespmem:s3+$0xFFFFFFF0]  }
0xdf: {  	v8 =	vsub.f32 v8, v10;
	v4 =	vadd.f32 v55, v0;
	v62 =	vld [tilespmem:s3+$0xF0]  }
0xe0: {  	v9 =	vsub.f32 v9, v11;
	v2 =	vadd.f32 v57, v0  }
0xe1: {  	[tilespmem:s2+$0xFFFFFFF0] =	vst v8;
	v4 =	vsub.f32 v4, v56;
	v1 =	vadd.f32 v58, v0  }
0xe2: {  	[tilespmem:s2+$0x70] =	vst v9;
	v2 =	vsub.f32 v2, v60;
	v63 =	vadd.f32 v59, v0  }
0xe3: {  	[tilespmem:s4+$0xF0] =	vst v4;
	v1 =	vsub.f32 v1, v61  }
0xe4: {  	[tilespmem:s4+$0xFFFFFF70] =	vst v2;
	v0 =	vsub.f32 v63, v62  }
0xe5: {  	s28 =	sshll.u32 s1, $0xB;
	s29 =	simm.s32 $0x0;
	[tilespmem:s4+$0xFFFFFFF0] =	vst v1  }
0xe6: {  	s30 =	simm.s32 $0x10000;
	s31 =	simm.s32 $0x3;
	s2 =	sadd.s32 s5, s28;
	[tilespmem:s4+$0x70] =	vst v0  }
0xe7: {  	[hbm4b:s2+s29] =	stream.linear.scatter [tilespmem:s30], [sflag:$0x3], $0x4000, $0x38;
	[tilespmem:$0x18080] =	vst v63  }
0xe8: {  	_ =	swait.ge [sflag:s31], $0x4000  }
0xe9: {  	[sflag:s31] =	ssyncset.done $0x0  }
0xea: {  	[sflag:s31] =	ssyncadd.s32 $0xFFFFC000  }
0xeb: {  	_ =	sfence.sel $0x180000  }
0xec: {  	[bflag:$0x0] =	sbarrier.arrive $0xFFFF  }
0xed: {  	p0 =	sne.s32 s1, $0x0;
	_ =	strace $0x90000047  }
0xee: {  	s0 =	sadd.s32 @!p0 $0x100000, s0;
	[bflag:$0x2] =	sbarrier.arrive $0xFFFF  }
0xef: {  	[sflag:s0] =	ssyncadd.tile.s32 @!p0 $0x1;
	_ =	shalt  }
.Lfunc_end2:
_tile_overlayer_lowered:
.L_overlay_start_2:
0xf0: {  	(tag) =	ssettag $0x2  }
0xf1: {  	s0 =	rddreg [dreg:$0x0];
	s2 =	stileid.u32  }
0xf2: {  	s1 =	rddreg [dreg:$0x1];
	p0 =	sne.s32 s2, $0x0  }
0xf3: {  	s3 =	rddreg [dreg:$0x2];
	[bflag:$0x3] =	sbarrier.arrive $0xFFFF;
	s2 =	simm.s32 @!p0 $0x1C05  }
0xf4: {  	[timem:s3], [sflag:s2] =	dma.local @!p0 [hbm:s0], s1  }
0xf5: {  	s0 =	simm.s32 @!p0 $0x5  }
0xf6: {  	_ =	swait.ge @!p0 [sflag:s0], s1  }
0xf7: {  	s1 =	ssub.s32 @!p0 $0x0, s1;
	[sflag:s0] =	ssyncset.done @!p0 $0x0  }
0xf8: {  	[sflag:s0] =	ssyncadd.s32 @!p0 s1  }
0xf9: {  	[bflag:$0x3] =	sbarrier.arrive $0xFFFF  }
0xfa: {  	_ =	shalt  }

</sc_bundles>
